<compile_context>
chip_gen: v7x
topology: tpu7x:2x2x1
jax: 0.10.2.dev20260603
libtpu: 0.0.44.dev20260713+nightly
codegen_flags: <defaults>
</compile_context>

<pallas_src>
import functools

import jax
import jax.numpy as jnp
from jax import lax
from jax.experimental import pallas as pl
from jax.experimental.pallas import tpu as pltpu
from jax.experimental.pallas import tpu_sc as plsc

N_TOKENS = 32768
D_MODEL = 768
NUM_EXPERTS = 64
BLK = 4096

_SC_INFO = plsc.get_sparse_core_info()
_NC, _NS, _NL = _SC_INFO.num_cores, _SC_INFO.num_subcores, _SC_INFO.num_lanes
_NW = _NC * _NS
_TPW = N_TOKENS // _NW


def _softmax_body(x_ref, w_ref, b_ref, soft_ref):
    x = x_ref[...]
    w = w_ref[...]
    logits = jax.lax.dot_general(
        x, w, (((1,), (0,)), ((), ())), preferred_element_type=jnp.float32)
    logits = logits + b_ref[...]
    m = jnp.max(logits, axis=-1, keepdims=True)
    e = jnp.exp(logits - m)
    s = jnp.sum(e, axis=-1, keepdims=True)
    soft_ref[...] = e / s


def _tc_softmax(x, W, b):
    n = x.shape[0]
    return pl.pallas_call(
        _softmax_body,
        grid=(n // BLK,),
        in_specs=[
            pl.BlockSpec((BLK, D_MODEL), lambda i: (i, 0)),
            pl.BlockSpec((D_MODEL, NUM_EXPERTS), lambda i: (0, 0)),
            pl.BlockSpec((1, NUM_EXPERTS), lambda i: (0, 0)),
        ],
        out_specs=pl.BlockSpec((BLK, NUM_EXPERTS), lambda i: (i, 0)),
        out_shape=jax.ShapeDtypeStruct((n, NUM_EXPERTS), jnp.float32),
    )(x, W, b.reshape(1, NUM_EXPERTS))


@functools.partial(
    pl.kernel,
    out_type=[
        jax.ShapeDtypeStruct((N_TOKENS * 2,), jnp.float32),
        jax.ShapeDtypeStruct((N_TOKENS * 2,), jnp.int32),
    ],
    mesh=plsc.VectorSubcoreMesh(core_axis_name="c", subcore_axis_name="s"),
    compiler_params=pltpu.CompilerParams(
        needs_layout_passes=False, skip_device_barrier=True),
    scratch_types=[
        pltpu.VMEM((_TPW * NUM_EXPERTS,), jnp.float32),
        pltpu.VMEM((_TPW * 2,), jnp.float32),
        pltpu.VMEM((_TPW * 2,), jnp.int32),
    ],
)
def _sc_top2(soft_hbm, w_hbm, ei_hbm, slab, wbuf, eibuf):
    wid = lax.axis_index("s") * _NC + lax.axis_index("c")
    base = wid * _TPW
    pltpu.sync_copy(soft_hbm.at[pl.ds(base * NUM_EXPERTS, _TPW * NUM_EXPERTS)],
                    slab)

    lane = lax.iota(jnp.int32, _NL)

    hi_mask = jnp.full((_NL,), ~0x3F, jnp.int32)

    def group(g, carry):
        t = g * _NL + lane
        k1 = jnp.zeros((_NL,), jnp.int32)
        k2 = jnp.zeros((_NL,), jnp.int32)
        flat = t * NUM_EXPERTS
        for e in range(NUM_EXPERTS):
            v = plsc.load_gather(slab, [flat + e])
            key = (plsc.bitcast(v, jnp.int32) & hi_mask) | (63 - e)
            k2 = jnp.maximum(k2, jnp.minimum(key, k1))
            k1 = jnp.maximum(k1, key)
        m1 = plsc.bitcast(k1 & hi_mask, jnp.float32)
        m2 = plsc.bitcast(k2 & hi_mask, jnp.float32)
        i1 = 63 - (k1 & 0x3F)
        i2 = 63 - (k2 & 0x3F)
        tot = m1 + m2
        two_t = t * 2
        plsc.store_scatter(wbuf, [two_t], m1 / tot)
        plsc.store_scatter(wbuf, [two_t + 1], m2 / tot)
        plsc.store_scatter(eibuf, [two_t], i1)
        plsc.store_scatter(eibuf, [two_t + 1], i2)
        return carry

    lax.fori_loop(0, _TPW // _NL, group, 0)
    pltpu.sync_copy(wbuf, w_hbm.at[pl.ds(base * 2, _TPW * 2)])
    pltpu.sync_copy(eibuf, ei_hbm.at[pl.ds(base * 2, _TPW * 2)])


@jax.jit
def kernel(x, W, b):
    soft = _tc_softmax(x, W, b)
    wtop_flat, idx_flat = _sc_top2(soft.reshape(-1))
    return (wtop_flat.reshape(N_TOKENS, 2), idx_flat.reshape(N_TOKENS, 2),
            soft)

# --- scband reference (transcript-rebuilt; emitter-appended) ---
"""Pipeline reference for scband-noisy-topk-router-44822278701273 (READ-ONLY COPY).

The authoritative reference and input builder live on the scoring server;
editing this copy changes nothing except your own understanding.
"""

import jax, jax.numpy as jnp
import numpy as np

N_TOKENS = 32768
D_MODEL = 768
NUM_EXPERTS = 64
TOP_K = 2

def setup_inputs(seed: int = 0) -> dict:
    key = jax.random.key(seed)
    k1, k2, k3 = jax.random.split(key, 3)
    x = jax.random.normal(k1, (N_TOKENS, D_MODEL), dtype=jnp.float32)
    # nn.Linear(n_embed, num_experts): weight [num_experts, n_embed], bias [num_experts]
    # stored transposed for jax matmul: W [n_embed, num_experts]
    W = jax.random.normal(k2, (D_MODEL, NUM_EXPERTS), dtype=jnp.float32) * (1.0 / np.sqrt(D_MODEL))
    b = jax.random.normal(k3, (NUM_EXPERTS,), dtype=jnp.float32) * 0.01
    return {"x": x, "W": W, "b": b}

def reference(x, W, b):
    # logits = self.topkroute_linear(x)  (noisy=False branch)
    logits = jnp.dot(x, W) + b
    # softmax over experts
    softmax_logits = jax.nn.softmax(logits, axis=-1)
    # topk over softmax probabilities
    top_k_logits, selected_experts = jax.lax.top_k(softmax_logits, TOP_K)
    # renormalize top-k weights
    weighted_top_k_logits = top_k_logits / jnp.sum(top_k_logits, axis=-1, keepdims=True)
    return (weighted_top_k_logits, selected_experts, softmax_logits)

if __name__ == "__main__":
    import jax
    _d = setup_inputs()
    print(jax.jit(kernel)(*tuple(_d.values())))

</pallas_src>

<mosaic_0001>
#map = affine_map<(d0, d1) -> (0)>
module attributes {stable_mosaic.version = 14 : i64} {
  func.func @_sc_top2(%arg0: i32, %arg1: i32, %arg2: memref<2097152xf32, #tpu.memory_space<hbm>>, %arg3: memref<65536xf32, #tpu.memory_space<hbm>>, %arg4: memref<65536xi32, #tpu.memory_space<hbm>>, %arg5: memref<65536xf32, #tpu.memory_space<vmem>>, %arg6: memref<2048xf32, #tpu.memory_space<vmem>>, %arg7: memref<2048xi32, #tpu.memory_space<vmem>>) attributes {dimension_semantics = [#tpu.dimension_semantics<core_parallel>, #tpu.dimension_semantics<subcore_parallel>], iteration_bounds = array<i64: 2, 16>, scalar_prefetch = 0 : i64, scratch_operands = 3 : i64, tpu.core_type = #tpu.core_type<sc_vector_subcore>, window_params = [{transform_indices = #map}, {transform_indices = #map}, {transform_indices = #map}]} {
    %mul3A = arith.constant 2 : i32
    %mul3A_0 = arith.muli %arg1, %mul3A : i32
    %add3A = arith.addi %mul3A_0, %arg0 : i32
    %mul3A_1 = arith.constant 1024 : i32
    %mul3A_2 = arith.muli %add3A, %mul3A_1 : i32
    %mul3A_3 = arith.constant 64 : i32
    %mul3A_4 = arith.muli %mul3A_2, %mul3A_3 : i32
    "tpu.region"() ({
      %run_scoped3A = tpu.sem_alloc : memref<!tpu.dma_semaphore, #tpu.memory_space<semaphore_mem>>
      %dma_start3A = tpu.memref_slice %arg2[%mul3A_4] : memref<2097152xf32, #tpu.memory_space<hbm>> -> memref<65536xf32, #tpu.memory_space<hbm>>
      %dma_start3A_15 = tpu.memref_slice %arg2[%mul3A_4] : memref<2097152xf32, #tpu.memory_space<hbm>> -> memref<65536xf32, #tpu.memory_space<hbm>>
      tpu.enqueue_dma source(%dma_start3A_15 : memref<65536xf32, #tpu.memory_space<hbm>>) target(%arg5 : memref<65536xf32, #tpu.memory_space<vmem>>) target_semaphore(%run_scoped3A : memref<!tpu.dma_semaphore, #tpu.memory_space<semaphore_mem>>)
      %dma_wait3A = tpu.memref_slice %arg2[%mul3A_4] : memref<2097152xf32, #tpu.memory_space<hbm>> -> memref<65536xf32, #tpu.memory_space<hbm>>
      %dma_wait3A_16 = tpu.memref_slice %arg2[%mul3A_4] : memref<2097152xf32, #tpu.memory_space<hbm>> -> memref<65536xf32, #tpu.memory_space<hbm>>
      tpu.wait_dma2 semaphore(%run_scoped3A : memref<!tpu.dma_semaphore, #tpu.memory_space<semaphore_mem>>) src(%dma_wait3A_16 : memref<65536xf32, #tpu.memory_space<hbm>>) dst(%arg5 : memref<65536xf32, #tpu.memory_space<vmem>>)
      tpu.yield
    }) : () -> ()
    %iota3A = tpu.iota {dimensions = array<i32: 0>} : vector<16xi32>
    %broadcast_in_dim3A = arith.constant -64 : i32
    %broadcast_in_dim3A_5 = vector.broadcast %broadcast_in_dim3A : i32 to vector<16xi32>
    %scan3A = arith.constant 0 : i32
    %scan3A_6 = arith.constant 0 : i32
    %scan3A_7 = arith.constant 64 : i32
    %scan3A_8 = arith.addi %scan3A_6, %scan3A_7 : i32
    %scan3A_9 = arith.constant 1 : i32
    scf.for %scan3A_15 = %scan3A_6 to %scan3A_8 step %scan3A_9  : i32 {
      %mul3A_16 = arith.constant 16 : i32
      %mul3A_17 = arith.muli %scan3A_15, %mul3A_16 : i32
      %add3A_18 = vector.broadcast %mul3A_17 : i32 to vector<16xi32>
      %add3A_19 = arith.addi %add3A_18, %iota3A : vector<16xi32>
      %broadcast_in_dim3A_20 = arith.constant 0 : i32
      %broadcast_in_dim3A_21 = vector.broadcast %broadcast_in_dim3A_20 : i32 to vector<16xi32>
      %broadcast_in_dim3A_22 = arith.constant 0 : i32
      %broadcast_in_dim3A_23 = vector.broadcast %broadcast_in_dim3A_22 : i32 to vector<16xi32>
      %mul3A_24 = arith.constant 64 : i32
      %mul3A_25 = vector.broadcast %mul3A_24 : i32 to vector<16xi32>
      %mul3A_26 = arith.muli %add3A_19, %mul3A_25 : vector<16xi32>
      %add3A_27 = arith.constant 0 : i32
      %add3A_28 = vector.broadcast %add3A_27 : i32 to vector<16xi32>
      %add3A_29 = arith.addi %mul3A_26, %add3A_28 : vector<16xi32>
      %gather3A = tpu.vector_load_idx %arg5[%add3A_29] : memref<65536xf32, #tpu.memory_space<vmem>>[vector<16xi32>], vector<16xf32>,
      %bitcast3A = vector.bitcast %gather3A : vector<16xf32> to vector<16xi32>
      %and3A = arith.andi %bitcast3A, %broadcast_in_dim3A_5 : vector<16xi32>
      %or3A = arith.constant 63 : i32
      %or3A_30 = vector.broadcast %or3A : i32 to vector<16xi32>
      %or3A_31 = arith.ori %and3A, %or3A_30 : vector<16xi32>
      %min3A = arith.minsi %or3A_31, %broadcast_in_dim3A_21 : vector<16xi32>
      %max3A = arith.maxsi %broadcast_in_dim3A_23, %min3A : vector<16xi32>
      %max3A_32 = arith.maxsi %broadcast_in_dim3A_21, %or3A_31 : vector<16xi32>
      %add3A_33 = arith.constant 1 : i32
      %add3A_34 = vector.broadcast %add3A_33 : i32 to vector<16xi32>
      %add3A_35 = arith.addi %mul3A_26, %add3A_34 : vector<16xi32>
      %gather3A_36 = tpu.vector_load_idx %arg5[%add3A_35] : memref<65536xf32, #tpu.memory_space<vmem>>[vector<16xi32>], vector<16xf32>,
      %bitcast3A_37 = vector.bitcast %gather3A_36 : vector<16xf32> to vector<16xi32>
      %and3A_38 = arith.andi %bitcast3A_37, %broadcast_in_dim3A_5 : vector<16xi32>
      %or3A_39 = arith.constant 62 : i32
      %or3A_40 = vector.broadcast %or3A_39 : i32 to vector<16xi32>
      %or3A_41 = arith.ori %and3A_38, %or3A_40 : vector<16xi32>
      %min3A_42 = arith.minsi %or3A_41, %max3A_32 : vector<16xi32>
      %max3A_43 = arith.maxsi %max3A, %min3A_42 : vector<16xi32>
      %max3A_44 = arith.maxsi %max3A_32, %or3A_41 : vector<16xi32>
      %add3A_45 = arith.constant 2 : i32
      %add3A_46 = vector.broadcast %add3A_45 : i32 to vector<16xi32>
      %add3A_47 = arith.addi %mul3A_26, %add3A_46 : vector<16xi32>
      %gather3A_48 = tpu.vector_load_idx %arg5[%add3A_47] : memref<65536xf32, #tpu.memory_space<vmem>>[vector<16xi32>], vector<16xf32>,
      %bitcast3A_49 = vector.bitcast %gather3A_48 : vector<16xf32> to vector<16xi32>
      %and3A_50 = arith.andi %bitcast3A_49, %broadcast_in_dim3A_5 : vector<16xi32>
      %or3A_51 = arith.constant 61 : i32
      %or3A_52 = vector.broadcast %or3A_51 : i32 to vector<16xi32>
      %or3A_53 = arith.ori %and3A_50, %or3A_52 : vector<16xi32>
      %min3A_54 = arith.minsi %or3A_53, %max3A_44 : vector<16xi32>
      %max3A_55 = arith.maxsi %max3A_43, %min3A_54 : vector<16xi32>
      %max3A_56 = arith.maxsi %max3A_44, %or3A_53 : vector<16xi32>
      %add3A_57 = arith.constant 3 : i32
      %add3A_58 = vector.broadcast %add3A_57 : i32 to vector<16xi32>
      %add3A_59 = arith.addi %mul3A_26, %add3A_58 : vector<16xi32>
      %gather3A_60 = tpu.vector_load_idx %arg5[%add3A_59] : memref<65536xf32, #tpu.memory_space<vmem>>[vector<16xi32>], vector<16xf32>,
      %bitcast3A_61 = vector.bitcast %gather3A_60 : vector<16xf32> to vector<16xi32>
      %and3A_62 = arith.andi %bitcast3A_61, %broadcast_in_dim3A_5 : vector<16xi32>
      %or3A_63 = arith.constant 60 : i32
      %or3A_64 = vector.broadcast %or3A_63 : i32 to vector<16xi32>
      %or3A_65 = arith.ori %and3A_62, %or3A_64 : vector<16xi32>
      %min3A_66 = arith.minsi %or3A_65, %max3A_56 : vector<16xi32>
      %max3A_67 = arith.maxsi %max3A_55, %min3A_66 : vector<16xi32>
      %max3A_68 = arith.maxsi %max3A_56, %or3A_65 : vector<16xi32>
      %add3A_69 = arith.constant 4 : i32
      %add3A_70 = vector.broadcast %add3A_69 : i32 to vector<16xi32>
      %add3A_71 = arith.addi %mul3A_26, %add3A_70 : vector<16xi32>
      %gather3A_72 = tpu.vector_load_idx %arg5[%add3A_71] : memref<65536xf32, #tpu.memory_space<vmem>>[vector<16xi32>], vector<16xf32>,
      %bitcast3A_73 = vector.bitcast %gather3A_72 : vector<16xf32> to vector<16xi32>
      %and3A_74 = arith.andi %bitcast3A_73, %broadcast_in_dim3A_5 : vector<16xi32>
      %or3A_75 = arith.constant 59 : i32
      %or3A_76 = vector.broadcast %or3A_75 : i32 to vector<16xi32>
      %or3A_77 = arith.ori %and3A_74, %or3A_76 : vector<16xi32>
      %min3A_78 = arith.minsi %or3A_77, %max3A_68 : vector<16xi32>
      %max3A_79 = arith.maxsi %max3A_67, %min3A_78 : vector<16xi32>
      %max3A_80 = arith.maxsi %max3A_68, %or3A_77 : vector<16xi32>
      %add3A_81 = arith.constant 5 : i32
      %add3A_82 = vector.broadcast %add3A_81 : i32 to vector<16xi32>
      %add3A_83 = arith.addi %mul3A_26, %add3A_82 : vector<16xi32>
      %gather3A_84 = tpu.vector_load_idx %arg5[%add3A_83] : memref<65536xf32, #tpu.memory_space<vmem>>[vector<16xi32>], vector<16xf32>,
      %bitcast3A_85 = vector.bitcast %gather3A_84 : vector<16xf32> to vector<16xi32>
      %and3A_86 = arith.andi %bitcast3A_85, %broadcast_in_dim3A_5 : vector<16xi32>
      %or3A_87 = arith.constant 58 : i32
      %or3A_88 = vector.broadcast %or3A_87 : i32 to vector<16xi32>
      %or3A_89 = arith.ori %and3A_86, %or3A_88 : vector<16xi32>
      %min3A_90 = arith.minsi %or3A_89, %max3A_80 : vector<16xi32>
      %max3A_91 = arith.maxsi %max3A_79, %min3A_90 : vector<16xi32>
      %max3A_92 = arith.maxsi %max3A_80, %or3A_89 : vector<16xi32>
      %add3A_93 = arith.constant 6 : i32
      %add3A_94 = vector.broadcast %add3A_93 : i32 to vector<16xi32>
      %add3A_95 = arith.addi %mul3A_26, %add3A_94 : vector<16xi32>
      %gather3A_96 = tpu.vector_load_idx %arg5[%add3A_95] : memref<65536xf32, #tpu.memory_space<vmem>>[vector<16xi32>], vector<16xf32>,
      %bitcast3A_97 = vector.bitcast %gather3A_96 : vector<16xf32> to vector<16xi32>
      %and3A_98 = arith.andi %bitcast3A_97, %broadcast_in_dim3A_5 : vector<16xi32>
      %or3A_99 = arith.constant 57 : i32
      %or3A_100 = vector.broadcast %or3A_99 : i32 to vector<16xi32>
      %or3A_101 = arith.ori %and3A_98, %or3A_100 : vector<16xi32>
      %min3A_102 = arith.minsi %or3A_101, %max3A_92 : vector<16xi32>
      %max3A_103 = arith.maxsi %max3A_91, %min3A_102 : vector<16xi32>
      %max3A_104 = arith.maxsi %max3A_92, %or3A_101 : vector<16xi32>
      %add3A_105 = arith.constant 7 : i32
      %add3A_106 = vector.broadcast %add3A_105 : i32 to vector<16xi32>
      %add3A_107 = arith.addi %mul3A_26, %add3A_106 : vector<16xi32>
      %gather3A_108 = tpu.vector_load_idx %arg5[%add3A_107] : memref<65536xf32, #tpu.memory_space<vmem>>[vector<16xi32>], vector<16xf32>,
      %bitcast3A_109 = vector.bitcast %gather3A_108 : vector<16xf32> to vector<16xi32>
      %and3A_110 = arith.andi %bitcast3A_109, %broadcast_in_dim3A_5 : vector<16xi32>
      %or3A_111 = arith.constant 56 : i32
      %or3A_112 = vector.broadcast %or3A_111 : i32 to vector<16xi32>
      %or3A_113 = arith.ori %and3A_110, %or3A_112 : vector<16xi32>
      %min3A_114 = arith.minsi %or3A_113, %max3A_104 : vector<16xi32>
      %max3A_115 = arith.maxsi %max3A_103, %min3A_114 : vector<16xi32>
      %max3A_116 = arith.maxsi %max3A_104, %or3A_113 : vector<16xi32>
      %add3A_117 = arith.constant 8 : i32
      %add3A_118 = vector.broadcast %add3A_117 : i32 to vector<16xi32>
      %add3A_119 = arith.addi %mul3A_26, %add3A_118 : vector<16xi32>
      %gather3A_120 = tpu.vector_load_idx %arg5[%add3A_119] : memref<65536xf32, #tpu.memory_space<vmem>>[vector<16xi32>], vector<16xf32>,
      %bitcast3A_121 = vector.bitcast %gather3A_120 : vector<16xf32> to vector<16xi32>
      %and3A_122 = arith.andi %bitcast3A_121, %broadcast_in_dim3A_5 : vector<16xi32>
      %or3A_123 = arith.constant 55 : i32
      %or3A_124 = vector.broadcast %or3A_123 : i32 to vector<16xi32>
      %or3A_125 = arith.ori %and3A_122, %or3A_124 : vector<16xi32>
      %min3A_126 = arith.minsi %or3A_125, %max3A_116 : vector<16xi32>
      %max3A_127 = arith.maxsi %max3A_115, %min3A_126 : vector<16xi32>
      %max3A_128 = arith.maxsi %max3A_116, %or3A_125 : vector<16xi32>
      %add3A_129 = arith.constant 9 : i32
      %add3A_130 = vector.broadcast %add3A_129 : i32 to vector<16xi32>
      %add3A_131 = arith.addi %mul3A_26, %add3A_130 : vector<16xi32>
      %gather3A_132 = tpu.vector_load_idx %arg5[%add3A_131] : memref<65536xf32, #tpu.memory_space<vmem>>[vector<16xi32>], vector<16xf32>,
      %bitcast3A_133 = vector.bitcast %gather3A_132 : vector<16xf32> to vector<16xi32>
      %and3A_134 = arith.andi %bitcast3A_133, %broadcast_in_dim3A_5 : vector<16xi32>
      %or3A_135 = arith.constant 54 : i32
      %or3A_136 = vector.broadcast %or3A_135 : i32 to vector<16xi32>
      %or3A_137 = arith.ori %and3A_134, %or3A_136 : vector<16xi32>
      %min3A_138 = arith.minsi %or3A_137, %max3A_128 : vector<16xi32>
      %max3A_139 = arith.maxsi %max3A_127, %min3A_138 : vector<16xi32>
      %max3A_140 = arith.maxsi %max3A_128, %or3A_137 : vector<16xi32>
      %add3A_141 = arith.constant 10 : i32
      %add3A_142 = vector.broadcast %add3A_141 : i32 to vector<16xi32>
      %add3A_143 = arith.addi %mul3A_26, %add3A_142 : vector<16xi32>
      %gather3A_144 = tpu.vector_load_idx %arg5[%add3A_143] : memref<65536xf32, #tpu.memory_space<vmem>>[vector<16xi32>], vector<16xf32>,
      %bitcast3A_145 = vector.bitcast %gather3A_144 : vector<16xf32> to vector<16xi32>
      %and3A_146 = arith.andi %bitcast3A_145, %broadcast_in_dim3A_5 : vector<16xi32>
      %or3A_147 = arith.constant 53 : i32
      %or3A_148 = vector.broadcast %or3A_147 : i32 to vector<16xi32>
      %or3A_149 = arith.ori %and3A_146, %or3A_148 : vector<16xi32>
      %min3A_150 = arith.minsi %or3A_149, %max3A_140 : vector<16xi32>
      %max3A_151 = arith.maxsi %max3A_139, %min3A_150 : vector<16xi32>
      %max3A_152 = arith.maxsi %max3A_140, %or3A_149 : vector<16xi32>
      %add3A_153 = arith.constant 11 : i32
      %add3A_154 = vector.broadcast %add3A_153 : i32 to vector<16xi32>
      %add3A_155 = arith.addi %mul3A_26, %add3A_154 : vector<16xi32>
      %gather3A_156 = tpu.vector_load_idx %arg5[%add3A_155] : memref<65536xf32, #tpu.memory_space<vmem>>[vector<16xi32>], vector<16xf32>,
      %bitcast3A_157 = vector.bitcast %gather3A_156 : vector<16xf32> to vector<16xi32>
      %and3A_158 = arith.andi %bitcast3A_157, %broadcast_in_dim3A_5 : vector<16xi32>
      %or3A_159 = arith.constant 52 : i32
      %or3A_160 = vector.broadcast %or3A_159 : i32 to vector<16xi32>
      %or3A_161 = arith.ori %and3A_158, %or3A_160 : vector<16xi32>
      %min3A_162 = arith.minsi %or3A_161, %max3A_152 : vector<16xi32>
      %max3A_163 = arith.maxsi %max3A_151, %min3A_162 : vector<16xi32>
      %max3A_164 = arith.maxsi %max3A_152, %or3A_161 : vector<16xi32>
      %add3A_165 = arith.constant 12 : i32
      %add3A_166 = vector.broadcast %add3A_165 : i32 to vector<16xi32>
      %add3A_167 = arith.addi %mul3A_26, %add3A_166 : vector<16xi32>
      %gather3A_168 = tpu.vector_load_idx %arg5[%add3A_167] : memref<65536xf32, #tpu.memory_space<vmem>>[vector<16xi32>], vector<16xf32>,
      %bitcast3A_169 = vector.bitcast %gather3A_168 : vector<16xf32> to vector<16xi32>
      %and3A_170 = arith.andi %bitcast3A_169, %broadcast_in_dim3A_5 : vector<16xi32>
      %or3A_171 = arith.constant 51 : i32
      %or3A_172 = vector.broadcast %or3A_171 : i32 to vector<16xi32>
      %or3A_173 = arith.ori %and3A_170, %or3A_172 : vector<16xi32>
      %min3A_174 = arith.minsi %or3A_173, %max3A_164 : vector<16xi32>
      %max3A_175 = arith.maxsi %max3A_163, %min3A_174 : vector<16xi32>
      %max3A_176 = arith.maxsi %max3A_164, %or3A_173 : vector<16xi32>
      %add3A_177 = arith.constant 13 : i32
      %add3A_178 = vector.broadcast %add3A_177 : i32 to vector<16xi32>
      %add3A_179 = arith.addi %mul3A_26, %add3A_178 : vector<16xi32>
      %gather3A_180 = tpu.vector_load_idx %arg5[%add3A_179] : memref<65536xf32, #tpu.memory_space<vmem>>[vector<16xi32>], vector<16xf32>,
      %bitcast3A_181 = vector.bitcast %gather3A_180 : vector<16xf32> to vector<16xi32>
      %and3A_182 = arith.andi %bitcast3A_181, %broadcast_in_dim3A_5 : vector<16xi32>
      %or3A_183 = arith.constant 50 : i32
      %or3A_184 = vector.broadcast %or3A_183 : i32 to vector<16xi32>
      %or3A_185 = arith.ori %and3A_182, %or3A_184 : vector<16xi32>
      %min3A_186 = arith.minsi %or3A_185, %max3A_176 : vector<16xi32>
      %max3A_187 = arith.maxsi %max3A_175, %min3A_186 : vector<16xi32>
      %max3A_188 = arith.maxsi %max3A_176, %or3A_185 : vector<16xi32>
      %add3A_189 = arith.constant 14 : i32
      %add3A_190 = vector.broadcast %add3A_189 : i32 to vector<16xi32>
      %add3A_191 = arith.addi %mul3A_26, %add3A_190 : vector<16xi32>
      %gather3A_192 = tpu.vector_load_idx %arg5[%add3A_191] : memref<65536xf32, #tpu.memory_space<vmem>>[vector<16xi32>], vector<16xf32>,
      %bitcast3A_193 = vector.bitcast %gather3A_192 : vector<16xf32> to vector<16xi32>
      %and3A_194 = arith.andi %bitcast3A_193, %broadcast_in_dim3A_5 : vector<16xi32>
      %or3A_195 = arith.constant 49 : i32
      %or3A_196 = vector.broadcast %or3A_195 : i32 to vector<16xi32>
      %or3A_197 = arith.ori %and3A_194, %or3A_196 : vector<16xi32>
      %min3A_198 = arith.minsi %or3A_197, %max3A_188 : vector<16xi32>
      %max3A_199 = arith.maxsi %max3A_187, %min3A_198 : vector<16xi32>
      %max3A_200 = arith.maxsi %max3A_188, %or3A_197 : vector<16xi32>
      %add3A_201 = arith.constant 15 : i32
      %add3A_202 = vector.broadcast %add3A_201 : i32 to vector<16xi32>
      %add3A_203 = arith.addi %mul3A_26, %add3A_202 : vector<16xi32>
      %gather3A_204 = tpu.vector_load_idx %arg5[%add3A_203] : memref<65536xf32, #tpu.memory_space<vmem>>[vector<16xi32>], vector<16xf32>,
      %bitcast3A_205 = vector.bitcast %gather3A_204 : vector<16xf32> to vector<16xi32>
      %and3A_206 = arith.andi %bitcast3A_205, %broadcast_in_dim3A_5 : vector<16xi32>
      %or3A_207 = arith.constant 48 : i32
      %or3A_208 = vector.broadcast %or3A_207 : i32 to vector<16xi32>
      %or3A_209 = arith.ori %and3A_206, %or3A_208 : vector<16xi32>
      %min3A_210 = arith.minsi %or3A_209, %max3A_200 : vector<16xi32>
      %max3A_211 = arith.maxsi %max3A_199, %min3A_210 : vector<16xi32>
      %max3A_212 = arith.maxsi %max3A_200, %or3A_209 : vector<16xi32>
      %add3A_213 = arith.constant 16 : i32
      %add3A_214 = vector.broadcast %add3A_213 : i32 to vector<16xi32>
      %add3A_215 = arith.addi %mul3A_26, %add3A_214 : vector<16xi32>
      %gather3A_216 = tpu.vector_load_idx %arg5[%add3A_215] : memref<65536xf32, #tpu.memory_space<vmem>>[vector<16xi32>], vector<16xf32>,
      %bitcast3A_217 = vector.bitcast %gather3A_216 : vector<16xf32> to vector<16xi32>
      %and3A_218 = arith.andi %bitcast3A_217, %broadcast_in_dim3A_5 : vector<16xi32>
      %or3A_219 = arith.constant 47 : i32
      %or3A_220 = vector.broadcast %or3A_219 : i32 to vector<16xi32>
      %or3A_221 = arith.ori %and3A_218, %or3A_220 : vector<16xi32>
      %min3A_222 = arith.minsi %or3A_221, %max3A_212 : vector<16xi32>
      %max3A_223 = arith.maxsi %max3A_211, %min3A_222 : vector<16xi32>
      %max3A_224 = arith.maxsi %max3A_212, %or3A_221 : vector<16xi32>
      %add3A_225 = arith.constant 17 : i32
      %add3A_226 = vector.broadcast %add3A_225 : i32 to vector<16xi32>
      %add3A_227 = arith.addi %mul3A_26, %add3A_226 : vector<16xi32>
      %gather3A_228 = tpu.vector_load_idx %arg5[%add3A_227] : memref<65536xf32, #tpu.memory_space<vmem>>[vector<16xi32>], vector<16xf32>,
      %bitcast3A_229 = vector.bitcast %gather3A_228 : vector<16xf32> to vector<16xi32>
      %and3A_230 = arith.andi %bitcast3A_229, %broadcast_in_dim3A_5 : vector<16xi32>
      %or3A_231 = arith.constant 46 : i32
      %or3A_232 = vector.broadcast %or3A_231 : i32 to vector<16xi32>
      %or3A_233 = arith.ori %and3A_230, %or3A_232 : vector<16xi32>
      %min3A_234 = arith.minsi %or3A_233, %max3A_224 : vector<16xi32>
      %max3A_235 = arith.maxsi %max3A_223, %min3A_234 : vector<16xi32>
      %max3A_236 = arith.maxsi %max3A_224, %or3A_233 : vector<16xi32>
      %add3A_237 = arith.constant 18 : i32
      %add3A_238 = vector.broadcast %add3A_237 : i32 to vector<16xi32>
      %add3A_239 = arith.addi %mul3A_26, %add3A_238 : vector<16xi32>
      %gather3A_240 = tpu.vector_load_idx %arg5[%add3A_239] : memref<65536xf32, #tpu.memory_space<vmem>>[vector<16xi32>], vector<16xf32>,
      %bitcast3A_241 = vector.bitcast %gather3A_240 : vector<16xf32> to vector<16xi32>
      %and3A_242 = arith.andi %bitcast3A_241, %broadcast_in_dim3A_5 : vector<16xi32>
      %or3A_243 = arith.constant 45 : i32
      %or3A_244 = vector.broadcast %or3A_243 : i32 to vector<16xi32>
      %or3A_245 = arith.ori %and3A_242, %or3A_244 : vector<16xi32>
      %min3A_246 = arith.minsi %or3A_245, %max3A_236 : vector<16xi32>
      %max3A_247 = arith.maxsi %max3A_235, %min3A_246 : vector<16xi32>
      %max3A_248 = arith.maxsi %max3A_236, %or3A_245 : vector<16xi32>
      %add3A_249 = arith.constant 19 : i32
      %add3A_250 = vector.broadcast %add3A_249 : i32 to vector<16xi32>
      %add3A_251 = arith.addi %mul3A_26, %add3A_250 : vector<16xi32>
      %gather3A_252 = tpu.vector_load_idx %arg5[%add3A_251] : memref<65536xf32, #tpu.memory_space<vmem>>[vector<16xi32>], vector<16xf32>,
      %bitcast3A_253 = vector.bitcast %gather3A_252 : vector<16xf32> to vector<16xi32>
      %and3A_254 = arith.andi %bitcast3A_253, %broadcast_in_dim3A_5 : vector<16xi32>
      %or3A_255 = arith.constant 44 : i32
      %or3A_256 = vector.broadcast %or3A_255 : i32 to vector<16xi32>
      %or3A_257 = arith.ori %and3A_254, %or3A_256 : vector<16xi32>
      %min3A_258 = arith.minsi %or3A_257, %max3A_248 : vector<16xi32>
      %max3A_259 = arith.maxsi %max3A_247, %min3A_258 : vector<16xi32>
      %max3A_260 = arith.maxsi %max3A_248, %or3A_257 : vector<16xi32>
      %add3A_261 = arith.constant 20 : i32
      %add3A_262 = vector.broadcast %add3A_261 : i32 to vector<16xi32>
      %add3A_263 = arith.addi %mul3A_26, %add3A_262 : vector<16xi32>
      %gather3A_264 = tpu.vector_load_idx %arg5[%add3A_263] : memref<65536xf32, #tpu.memory_space<vmem>>[vector<16xi32>], vector<16xf32>,
      %bitcast3A_265 = vector.bitcast %gather3A_264 : vector<16xf32> to vector<16xi32>
      %and3A_266 = arith.andi %bitcast3A_265, %broadcast_in_dim3A_5 : vector<16xi32>
      %or3A_267 = arith.constant 43 : i32
      %or3A_268 = vector.broadcast %or3A_267 : i32 to vector<16xi32>
      %or3A_269 = arith.ori %and3A_266, %or3A_268 : vector<16xi32>
      %min3A_270 = arith.minsi %or3A_269, %max3A_260 : vector<16xi32>
      %max3A_271 = arith.maxsi %max3A_259, %min3A_270 : vector<16xi32>
      %max3A_272 = arith.maxsi %max3A_260, %or3A_269 : vector<16xi32>
      %add3A_273 = arith.constant 21 : i32
      %add3A_274 = vector.broadcast %add3A_273 : i32 to vector<16xi32>
      %add3A_275 = arith.addi %mul3A_26, %add3A_274 : vector<16xi32>
      %gather3A_276 = tpu.vector_load_idx %arg5[%add3A_275] : memref<65536xf32, #tpu.memory_space<vmem>>[vector<16xi32>], vector<16xf32>,
      %bitcast3A_277 = vector.bitcast %gather3A_276 : vector<16xf32> to vector<16xi32>
      %and3A_278 = arith.andi %bitcast3A_277, %broadcast_in_dim3A_5 : vector<16xi32>
      %or3A_279 = arith.constant 42 : i32
      %or3A_280 = vector.broadcast %or3A_279 : i32 to vector<16xi32>
      %or3A_281 = arith.ori %and3A_278, %or3A_280 : vector<16xi32>
      %min3A_282 = arith.minsi %or3A_281, %max3A_272 : vector<16xi32>
      %max3A_283 = arith.maxsi %max3A_271, %min3A_282 : vector<16xi32>
      %max3A_284 = arith.maxsi %max3A_272, %or3A_281 : vector<16xi32>
      %add3A_285 = arith.constant 22 : i32
      %add3A_286 = vector.broadcast %add3A_285 : i32 to vector<16xi32>
      %add3A_287 = arith.addi %mul3A_26, %add3A_286 : vector<16xi32>
      %gather3A_288 = tpu.vector_load_idx %arg5[%add3A_287] : memref<65536xf32, #tpu.memory_space<vmem>>[vector<16xi32>], vector<16xf32>,
      %bitcast3A_289 = vector.bitcast %gather3A_288 : vector<16xf32> to vector<16xi32>
      %and3A_290 = arith.andi %bitcast3A_289, %broadcast_in_dim3A_5 : vector<16xi32>
      %or3A_291 = arith.constant 41 : i32
      %or3A_292 = vector.broadcast %or3A_291 : i32 to vector<16xi32>
      %or3A_293 = arith.ori %and3A_290, %or3A_292 : vector<16xi32>
      %min3A_294 = arith.minsi %or3A_293, %max3A_284 : vector<16xi32>
      %max3A_295 = arith.maxsi %max3A_283, %min3A_294 : vector<16xi32>
      %max3A_296 = arith.maxsi %max3A_284, %or3A_293 : vector<16xi32>
      %add3A_297 = arith.constant 23 : i32
      %add3A_298 = vector.broadcast %add3A_297 : i32 to vector<16xi32>
      %add3A_299 = arith.addi %mul3A_26, %add3A_298 : vector<16xi32>
      %gather3A_300 = tpu.vector_load_idx %arg5[%add3A_299] : memref<65536xf32, #tpu.memory_space<vmem>>[vector<16xi32>], vector<16xf32>,
      %bitcast3A_301 = vector.bitcast %gather3A_300 : vector<16xf32> to vector<16xi32>
      %and3A_302 = arith.andi %bitcast3A_301, %broadcast_in_dim3A_5 : vector<16xi32>
      %or3A_303 = arith.constant 40 : i32
      %or3A_304 = vector.broadcast %or3A_303 : i32 to vector<16xi32>
      %or3A_305 = arith.ori %and3A_302, %or3A_304 : vector<16xi32>
      %min3A_306 = arith.minsi %or3A_305, %max3A_296 : vector<16xi32>
      %max3A_307 = arith.maxsi %max3A_295, %min3A_306 : vector<16xi32>
      %max3A_308 = arith.maxsi %max3A_296, %or3A_305 : vector<16xi32>
      %add3A_309 = arith.constant 24 : i32
      %add3A_310 = vector.broadcast %add3A_309 : i32 to vector<16xi32>
      %add3A_311 = arith.addi %mul3A_26, %add3A_310 : vector<16xi32>
      %gather3A_312 = tpu.vector_load_idx %arg5[%add3A_311] : memref<65536xf32, #tpu.memory_space<vmem>>[vector<16xi32>], vector<16xf32>,
      %bitcast3A_313 = vector.bitcast %gather3A_312 : vector<16xf32> to vector<16xi32>
      %and3A_314 = arith.andi %bitcast3A_313, %broadcast_in_dim3A_5 : vector<16xi32>
      %or3A_315 = arith.constant 39 : i32
      %or3A_316 = vector.broadcast %or3A_315 : i32 to vector<16xi32>
      %or3A_317 = arith.ori %and3A_314, %or3A_316 : vector<16xi32>
      %min3A_318 = arith.minsi %or3A_317, %max3A_308 : vector<16xi32>
      %max3A_319 = arith.maxsi %max3A_307, %min3A_318 : vector<16xi32>
      %max3A_320 = arith.maxsi %max3A_308, %or3A_317 : vector<16xi32>
      %add3A_321 = arith.constant 25 : i32
      %add3A_322 = vector.broadcast %add3A_321 : i32 to vector<16xi32>
      %add3A_323 = arith.addi %mul3A_26, %add3A_322 : vector<16xi32>
      %gather3A_324 = tpu.vector_load_idx %arg5[%add3A_323] : memref<65536xf32, #tpu.memory_space<vmem>>[vector<16xi32>], vector<16xf32>,
      %bitcast3A_325 = vector.bitcast %gather3A_324 : vector<16xf32> to vector<16xi32>
      %and3A_326 = arith.andi %bitcast3A_325, %broadcast_in_dim3A_5 : vector<16xi32>
      %or3A_327 = arith.constant 38 : i32
      %or3A_328 = vector.broadcast %or3A_327 : i32 to vector<16xi32>
      %or3A_329 = arith.ori %and3A_326, %or3A_328 : vector<16xi32>
      %min3A_330 = arith.minsi %or3A_329, %max3A_320 : vector<16xi32>
      %max3A_331 = arith.maxsi %max3A_319, %min3A_330 : vector<16xi32>
      %max3A_332 = arith.maxsi %max3A_320, %or3A_329 : vector<16xi32>
      %add3A_333 = arith.constant 26 : i32
      %add3A_334 = vector.broadcast %add3A_333 : i32 to vector<16xi32>
      %add3A_335 = arith.addi %mul3A_26, %add3A_334 : vector<16xi32>
      %gather3A_336 = tpu.vector_load_idx %arg5[%add3A_335] : memref<65536xf32, #tpu.memory_space<vmem>>[vector<16xi32>], vector<16xf32>,
      %bitcast3A_337 = vector.bitcast %gather3A_336 : vector<16xf32> to vector<16xi32>
      %and3A_338 = arith.andi %bitcast3A_337, %broadcast_in_dim3A_5 : vector<16xi32>
      %or3A_339 = arith.constant 37 : i32
      %or3A_340 = vector.broadcast %or3A_339 : i32 to vector<16xi32>
      %or3A_341 = arith.ori %and3A_338, %or3A_340 : vector<16xi32>
      %min3A_342 = arith.minsi %or3A_341, %max3A_332 : vector<16xi32>
      %max3A_343 = arith.maxsi %max3A_331, %min3A_342 : vector<16xi32>
      %max3A_344 = arith.maxsi %max3A_332, %or3A_341 : vector<16xi32>
      %add3A_345 = arith.constant 27 : i32
      %add3A_346 = vector.broadcast %add3A_345 : i32 to vector<16xi32>
      %add3A_347 = arith.addi %mul3A_26, %add3A_346 : vector<16xi32>
      %gather3A_348 = tpu.vector_load_idx %arg5[%add3A_347] : memref<65536xf32, #tpu.memory_space<vmem>>[vector<16xi32>], vector<16xf32>,
      %bitcast3A_349 = vector.bitcast %gather3A_348 : vector<16xf32> to vector<16xi32>
      %and3A_350 = arith.andi %bitcast3A_349, %broadcast_in_dim3A_5 : vector<16xi32>
      %or3A_351 = arith.constant 36 : i32
      %or3A_352 = vector.broadcast %or3A_351 : i32 to vector<16xi32>
      %or3A_353 = arith.ori %and3A_350, %or3A_352 : vector<16xi32>
      %min3A_354 = arith.minsi %or3A_353, %max3A_344 : vector<16xi32>
      %max3A_355 = arith.maxsi %max3A_343, %min3A_354 : vector<16xi32>
      %max3A_356 = arith.maxsi %max3A_344, %or3A_353 : vector<16xi32>
      %add3A_357 = arith.constant 28 : i32
      %add3A_358 = vector.broadcast %add3A_357 : i32 to vector<16xi32>
      %add3A_359 = arith.addi %mul3A_26, %add3A_358 : vector<16xi32>
      %gather3A_360 = tpu.vector_load_idx %arg5[%add3A_359] : memref<65536xf32, #tpu.memory_space<vmem>>[vector<16xi32>], vector<16xf32>,
      %bitcast3A_361 = vector.bitcast %gather3A_360 : vector<16xf32> to vector<16xi32>
      %and3A_362 = arith.andi %bitcast3A_361, %broadcast_in_dim3A_5 : vector<16xi32>
      %or3A_363 = arith.constant 35 : i32
      %or3A_364 = vector.broadcast %or3A_363 : i32 to vector<16xi32>
      %or3A_365 = arith.ori %and3A_362, %or3A_364 : vector<16xi32>
      %min3A_366 = arith.minsi %or3A_365, %max3A_356 : vector<16xi32>
      %max3A_367 = arith.maxsi %max3A_355, %min3A_366 : vector<16xi32>
      %max3A_368 = arith.maxsi %max3A_356, %or3A_365 : vector<16xi32>
      %add3A_369 = arith.constant 29 : i32
      %add3A_370 = vector.broadcast %add3A_369 : i32 to vector<16xi32>
      %add3A_371 = arith.addi %mul3A_26, %add3A_370 : vector<16xi32>
      %gather3A_372 = tpu.vector_load_idx %arg5[%add3A_371] : memref<65536xf32, #tpu.memory_space<vmem>>[vector<16xi32>], vector<16xf32>,
      %bitcast3A_373 = vector.bitcast %gather3A_372 : vector<16xf32> to vector<16xi32>
      %and3A_374 = arith.andi %bitcast3A_373, %broadcast_in_dim3A_5 : vector<16xi32>
      %or3A_375 = arith.constant 34 : i32
      %or3A_376 = vector.broadcast %or3A_375 : i32 to vector<16xi32>
      %or3A_377 = arith.ori %and3A_374, %or3A_376 : vector<16xi32>
      %min3A_378 = arith.minsi %or3A_377, %max3A_368 : vector<16xi32>
      %max3A_379 = arith.maxsi %max3A_367, %min3A_378 : vector<16xi32>
      %max3A_380 = arith.maxsi %max3A_368, %or3A_377 : vector<16xi32>
      %add3A_381 = arith.constant 30 : i32
      %add3A_382 = vector.broadcast %add3A_381 : i32 to vector<16xi32>
      %add3A_383 = arith.addi %mul3A_26, %add3A_382 : vector<16xi32>
      %gather3A_384 = tpu.vector_load_idx %arg5[%add3A_383] : memref<65536xf32, #tpu.memory_space<vmem>>[vector<16xi32>], vector<16xf32>,
      %bitcast3A_385 = vector.bitcast %gather3A_384 : vector<16xf32> to vector<16xi32>
      %and3A_386 = arith.andi %bitcast3A_385, %broadcast_in_dim3A_5 : vector<16xi32>
      %or3A_387 = arith.constant 33 : i32
      %or3A_388 = vector.broadcast %or3A_387 : i32 to vector<16xi32>
      %or3A_389 = arith.ori %and3A_386, %or3A_388 : vector<16xi32>
      %min3A_390 = arith.minsi %or3A_389, %max3A_380 : vector<16xi32>
      %max3A_391 = arith.maxsi %max3A_379, %min3A_390 : vector<16xi32>
      %max3A_392 = arith.maxsi %max3A_380, %or3A_389 : vector<16xi32>
      %add3A_393 = arith.constant 31 : i32
      %add3A_394 = vector.broadcast %add3A_393 : i32 to vector<16xi32>
      %add3A_395 = arith.addi %mul3A_26, %add3A_394 : vector<16xi32>
      %gather3A_396 = tpu.vector_load_idx %arg5[%add3A_395] : memref<65536xf32, #tpu.memory_space<vmem>>[vector<16xi32>], vector<16xf32>,
      %bitcast3A_397 = vector.bitcast %gather3A_396 : vector<16xf32> to vector<16xi32>
      %and3A_398 = arith.andi %bitcast3A_397, %broadcast_in_dim3A_5 : vector<16xi32>
      %or3A_399 = arith.constant 32 : i32
      %or3A_400 = vector.broadcast %or3A_399 : i32 to vector<16xi32>
      %or3A_401 = arith.ori %and3A_398, %or3A_400 : vector<16xi32>
      %min3A_402 = arith.minsi %or3A_401, %max3A_392 : vector<16xi32>
      %max3A_403 = arith.maxsi %max3A_391, %min3A_402 : vector<16xi32>
      %max3A_404 = arith.maxsi %max3A_392, %or3A_401 : vector<16xi32>
      %add3A_405 = arith.constant 32 : i32
      %add3A_406 = vector.broadcast %add3A_405 : i32 to vector<16xi32>
      %add3A_407 = arith.addi %mul3A_26, %add3A_406 : vector<16xi32>
      %gather3A_408 = tpu.vector_load_idx %arg5[%add3A_407] : memref<65536xf32, #tpu.memory_space<vmem>>[vector<16xi32>], vector<16xf32>,
      %bitcast3A_409 = vector.bitcast %gather3A_408 : vector<16xf32> to vector<16xi32>
      %and3A_410 = arith.andi %bitcast3A_409, %broadcast_in_dim3A_5 : vector<16xi32>
      %or3A_411 = arith.constant 31 : i32
      %or3A_412 = vector.broadcast %or3A_411 : i32 to vector<16xi32>
      %or3A_413 = arith.ori %and3A_410, %or3A_412 : vector<16xi32>
      %min3A_414 = arith.minsi %or3A_413, %max3A_404 : vector<16xi32>
      %max3A_415 = arith.maxsi %max3A_403, %min3A_414 : vector<16xi32>
      %max3A_416 = arith.maxsi %max3A_404, %or3A_413 : vector<16xi32>
      %add3A_417 = arith.constant 33 : i32
      %add3A_418 = vector.broadcast %add3A_417 : i32 to vector<16xi32>
      %add3A_419 = arith.addi %mul3A_26, %add3A_418 : vector<16xi32>
      %gather3A_420 = tpu.vector_load_idx %arg5[%add3A_419] : memref<65536xf32, #tpu.memory_space<vmem>>[vector<16xi32>], vector<16xf32>,
      %bitcast3A_421 = vector.bitcast %gather3A_420 : vector<16xf32> to vector<16xi32>
      %and3A_422 = arith.andi %bitcast3A_421, %broadcast_in_dim3A_5 : vector<16xi32>
      %or3A_423 = arith.constant 30 : i32
      %or3A_424 = vector.broadcast %or3A_423 : i32 to vector<16xi32>
      %or3A_425 = arith.ori %and3A_422, %or3A_424 : vector<16xi32>
      %min3A_426 = arith.minsi %or3A_425, %max3A_416 : vector<16xi32>
      %max3A_427 = arith.maxsi %max3A_415, %min3A_426 : vector<16xi32>
      %max3A_428 = arith.maxsi %max3A_416, %or3A_425 : vector<16xi32>
      %add3A_429 = arith.constant 34 : i32
      %add3A_430 = vector.broadcast %add3A_429 : i32 to vector<16xi32>
      %add3A_431 = arith.addi %mul3A_26, %add3A_430 : vector<16xi32>
      %gather3A_432 = tpu.vector_load_idx %arg5[%add3A_431] : memref<65536xf32, #tpu.memory_space<vmem>>[vector<16xi32>], vector<16xf32>,
      %bitcast3A_433 = vector.bitcast %gather3A_432 : vector<16xf32> to vector<16xi32>
      %and3A_434 = arith.andi %bitcast3A_433, %broadcast_in_dim3A_5 : vector<16xi32>
      %or3A_435 = arith.constant 29 : i32
      %or3A_436 = vector.broadcast %or3A_435 : i32 to vector<16xi32>
      %or3A_437 = arith.ori %and3A_434, %or3A_436 : vector<16xi32>
      %min3A_438 = arith.minsi %or3A_437, %max3A_428 : vector<16xi32>
      %max3A_439 = arith.maxsi %max3A_427, %min3A_438 : vector<16xi32>
      %max3A_440 = arith.maxsi %max3A_428, %or3A_437 : vector<16xi32>
      %add3A_441 = arith.constant 35 : i32
      %add3A_442 = vector.broadcast %add3A_441 : i32 to vector<16xi32>
      %add3A_443 = arith.addi %mul3A_26, %add3A_442 : vector<16xi32>
      %gather3A_444 = tpu.vector_load_idx %arg5[%add3A_443] : memref<65536xf32, #tpu.memory_space<vmem>>[vector<16xi32>], vector<16xf32>,
      %bitcast3A_445 = vector.bitcast %gather3A_444 : vector<16xf32> to vector<16xi32>
      %and3A_446 = arith.andi %bitcast3A_445, %broadcast_in_dim3A_5 : vector<16xi32>
      %or3A_447 = arith.constant 28 : i32
      %or3A_448 = vector.broadcast %or3A_447 : i32 to vector<16xi32>
      %or3A_449 = arith.ori %and3A_446, %or3A_448 : vector<16xi32>
      %min3A_450 = arith.minsi %or3A_449, %max3A_440 : vector<16xi32>
      %max3A_451 = arith.maxsi %max3A_439, %min3A_450 : vector<16xi32>
      %max3A_452 = arith.maxsi %max3A_440, %or3A_449 : vector<16xi32>
      %add3A_453 = arith.constant 36 : i32
      %add3A_454 = vector.broadcast %add3A_453 : i32 to vector<16xi32>
      %add3A_455 = arith.addi %mul3A_26, %add3A_454 : vector<16xi32>
      %gather3A_456 = tpu.vector_load_idx %arg5[%add3A_455] : memref<65536xf32, #tpu.memory_space<vmem>>[vector<16xi32>], vector<16xf32>,
      %bitcast3A_457 = vector.bitcast %gather3A_456 : vector<16xf32> to vector<16xi32>
      %and3A_458 = arith.andi %bitcast3A_457, %broadcast_in_dim3A_5 : vector<16xi32>
      %or3A_459 = arith.constant 27 : i32
      %or3A_460 = vector.broadcast %or3A_459 : i32 to vector<16xi32>
      %or3A_461 = arith.ori %and3A_458, %or3A_460 : vector<16xi32>
      %min3A_462 = arith.minsi %or3A_461, %max3A_452 : vector<16xi32>
      %max3A_463 = arith.maxsi %max3A_451, %min3A_462 : vector<16xi32>
      %max3A_464 = arith.maxsi %max3A_452, %or3A_461 : vector<16xi32>
      %add3A_465 = arith.constant 37 : i32
      %add3A_466 = vector.broadcast %add3A_465 : i32 to vector<16xi32>
      %add3A_467 = arith.addi %mul3A_26, %add3A_466 : vector<16xi32>
      %gather3A_468 = tpu.vector_load_idx %arg5[%add3A_467] : memref<65536xf32, #tpu.memory_space<vmem>>[vector<16xi32>], vector<16xf32>,
      %bitcast3A_469 = vector.bitcast %gather3A_468 : vector<16xf32> to vector<16xi32>
      %and3A_470 = arith.andi %bitcast3A_469, %broadcast_in_dim3A_5 : vector<16xi32>
      %or3A_471 = arith.constant 26 : i32
      %or3A_472 = vector.broadcast %or3A_471 : i32 to vector<16xi32>
      %or3A_473 = arith.ori %and3A_470, %or3A_472 : vector<16xi32>
      %min3A_474 = arith.minsi %or3A_473, %max3A_464 : vector<16xi32>
      %max3A_475 = arith.maxsi %max3A_463, %min3A_474 : vector<16xi32>
      %max3A_476 = arith.maxsi %max3A_464, %or3A_473 : vector<16xi32>
      %add3A_477 = arith.constant 38 : i32
      %add3A_478 = vector.broadcast %add3A_477 : i32 to vector<16xi32>
      %add3A_479 = arith.addi %mul3A_26, %add3A_478 : vector<16xi32>
      %gather3A_480 = tpu.vector_load_idx %arg5[%add3A_479] : memref<65536xf32, #tpu.memory_space<vmem>>[vector<16xi32>], vector<16xf32>,
      %bitcast3A_481 = vector.bitcast %gather3A_480 : vector<16xf32> to vector<16xi32>
      %and3A_482 = arith.andi %bitcast3A_481, %broadcast_in_dim3A_5 : vector<16xi32>
      %or3A_483 = arith.constant 25 : i32
      %or3A_484 = vector.broadcast %or3A_483 : i32 to vector<16xi32>
      %or3A_485 = arith.ori %and3A_482, %or3A_484 : vector<16xi32>
      %min3A_486 = arith.minsi %or3A_485, %max3A_476 : vector<16xi32>
      %max3A_487 = arith.maxsi %max3A_475, %min3A_486 : vector<16xi32>
      %max3A_488 = arith.maxsi %max3A_476, %or3A_485 : vector<16xi32>
      %add3A_489 = arith.constant 39 : i32
      %add3A_490 = vector.broadcast %add3A_489 : i32 to vector<16xi32>
      %add3A_491 = arith.addi %mul3A_26, %add3A_490 : vector<16xi32>
      %gather3A_492 = tpu.vector_load_idx %arg5[%add3A_491] : memref<65536xf32, #tpu.memory_space<vmem>>[vector<16xi32>], vector<16xf32>,
      %bitcast3A_493 = vector.bitcast %gather3A_492 : vector<16xf32> to vector<16xi32>
      %and3A_494 = arith.andi %bitcast3A_493, %broadcast_in_dim3A_5 : vector<16xi32>
      %or3A_495 = arith.constant 24 : i32
      %or3A_496 = vector.broadcast %or3A_495 : i32 to vector<16xi32>
      %or3A_497 = arith.ori %and3A_494, %or3A_496 : vector<16xi32>
      %min3A_498 = arith.minsi %or3A_497, %max3A_488 : vector<16xi32>
      %max3A_499 = arith.maxsi %max3A_487, %min3A_498 : vector<16xi32>
      %max3A_500 = arith.maxsi %max3A_488, %or3A_497 : vector<16xi32>
      %add3A_501 = arith.constant 40 : i32
      %add3A_502 = vector.broadcast %add3A_501 : i32 to vector<16xi32>
      %add3A_503 = arith.addi %mul3A_26, %add3A_502 : vector<16xi32>
      %gather3A_504 = tpu.vector_load_idx %arg5[%add3A_503] : memref<65536xf32, #tpu.memory_space<vmem>>[vector<16xi32>], vector<16xf32>,
      %bitcast3A_505 = vector.bitcast %gather3A_504 : vector<16xf32> to vector<16xi32>
      %and3A_506 = arith.andi %bitcast3A_505, %broadcast_in_dim3A_5 : vector<16xi32>
      %or3A_507 = arith.constant 23 : i32
      %or3A_508 = vector.broadcast %or3A_507 : i32 to vector<16xi32>
      %or3A_509 = arith.ori %and3A_506, %or3A_508 : vector<16xi32>
      %min3A_510 = arith.minsi %or3A_509, %max3A_500 : vector<16xi32>
      %max3A_511 = arith.maxsi %max3A_499, %min3A_510 : vector<16xi32>
      %max3A_512 = arith.maxsi %max3A_500, %or3A_509 : vector<16xi32>
      %add3A_513 = arith.constant 41 : i32
      %add3A_514 = vector.broadcast %add3A_513 : i32 to vector<16xi32>
      %add3A_515 = arith.addi %mul3A_26, %add3A_514 : vector<16xi32>
      %gather3A_516 = tpu.vector_load_idx %arg5[%add3A_515] : memref<65536xf32, #tpu.memory_space<vmem>>[vector<16xi32>], vector<16xf32>,
      %bitcast3A_517 = vector.bitcast %gather3A_516 : vector<16xf32> to vector<16xi32>
      %and3A_518 = arith.andi %bitcast3A_517, %broadcast_in_dim3A_5 : vector<16xi32>
      %or3A_519 = arith.constant 22 : i32
      %or3A_520 = vector.broadcast %or3A_519 : i32 to vector<16xi32>
      %or3A_521 = arith.ori %and3A_518, %or3A_520 : vector<16xi32>
      %min3A_522 = arith.minsi %or3A_521, %max3A_512 : vector<16xi32>
      %max3A_523 = arith.maxsi %max3A_511, %min3A_522 : vector<16xi32>
      %max3A_524 = arith.maxsi %max3A_512, %or3A_521 : vector<16xi32>
      %add3A_525 = arith.constant 42 : i32
      %add3A_526 = vector.broadcast %add3A_525 : i32 to vector<16xi32>
      %add3A_527 = arith.addi %mul3A_26, %add3A_526 : vector<16xi32>
      %gather3A_528 = tpu.vector_load_idx %arg5[%add3A_527] : memref<65536xf32, #tpu.memory_space<vmem>>[vector<16xi32>], vector<16xf32>,
      %bitcast3A_529 = vector.bitcast %gather3A_528 : vector<16xf32> to vector<16xi32>
      %and3A_530 = arith.andi %bitcast3A_529, %broadcast_in_dim3A_5 : vector<16xi32>
      %or3A_531 = arith.constant 21 : i32
      %or3A_532 = vector.broadcast %or3A_531 : i32 to vector<16xi32>
      %or3A_533 = arith.ori %and3A_530, %or3A_532 : vector<16xi32>
      %min3A_534 = arith.minsi %or3A_533, %max3A_524 : vector<16xi32>
      %max3A_535 = arith.maxsi %max3A_523, %min3A_534 : vector<16xi32>
      %max3A_536 = arith.maxsi %max3A_524, %or3A_533 : vector<16xi32>
      %add3A_537 = arith.constant 43 : i32
      %add3A_538 = vector.broadcast %add3A_537 : i32 to vector<16xi32>
      %add3A_539 = arith.addi %mul3A_26, %add3A_538 : vector<16xi32>
      %gather3A_540 = tpu.vector_load_idx %arg5[%add3A_539] : memref<65536xf32, #tpu.memory_space<vmem>>[vector<16xi32>], vector<16xf32>,
      %bitcast3A_541 = vector.bitcast %gather3A_540 : vector<16xf32> to vector<16xi32>
      %and3A_542 = arith.andi %bitcast3A_541, %broadcast_in_dim3A_5 : vector<16xi32>
      %or3A_543 = arith.constant 20 : i32
      %or3A_544 = vector.broadcast %or3A_543 : i32 to vector<16xi32>
      %or3A_545 = arith.ori %and3A_542, %or3A_544 : vector<16xi32>
      %min3A_546 = arith.minsi %or3A_545, %max3A_536 : vector<16xi32>
      %max3A_547 = arith.maxsi %max3A_535, %min3A_546 : vector<16xi32>
      %max3A_548 = arith.maxsi %max3A_536, %or3A_545 : vector<16xi32>
      %add3A_549 = arith.constant 44 : i32
      %add3A_550 = vector.broadcast %add3A_549 : i32 to vector<16xi32>
      %add3A_551 = arith.addi %mul3A_26, %add3A_550 : vector<16xi32>
      %gather3A_552 = tpu.vector_load_idx %arg5[%add3A_551] : memref<65536xf32, #tpu.memory_space<vmem>>[vector<16xi32>], vector<16xf32>,
      %bitcast3A_553 = vector.bitcast %gather3A_552 : vector<16xf32> to vector<16xi32>
      %and3A_554 = arith.andi %bitcast3A_553, %broadcast_in_dim3A_5 : vector<16xi32>
      %or3A_555 = arith.constant 19 : i32
      %or3A_556 = vector.broadcast %or3A_555 : i32 to vector<16xi32>
      %or3A_557 = arith.ori %and3A_554, %or3A_556 : vector<16xi32>
      %min3A_558 = arith.minsi %or3A_557, %max3A_548 : vector<16xi32>
      %max3A_559 = arith.maxsi %max3A_547, %min3A_558 : vector<16xi32>
      %max3A_560 = arith.maxsi %max3A_548, %or3A_557 : vector<16xi32>
      %add3A_561 = arith.constant 45 : i32
      %add3A_562 = vector.broadcast %add3A_561 : i32 to vector<16xi32>
      %add3A_563 = arith.addi %mul3A_26, %add3A_562 : vector<16xi32>
      %gather3A_564 = tpu.vector_load_idx %arg5[%add3A_563] : memref<65536xf32, #tpu.memory_space<vmem>>[vector<16xi32>], vector<16xf32>,
      %bitcast3A_565 = vector.bitcast %gather3A_564 : vector<16xf32> to vector<16xi32>
      %and3A_566 = arith.andi %bitcast3A_565, %broadcast_in_dim3A_5 : vector<16xi32>
      %or3A_567 = arith.constant 18 : i32
      %or3A_568 = vector.broadcast %or3A_567 : i32 to vector<16xi32>
      %or3A_569 = arith.ori %and3A_566, %or3A_568 : vector<16xi32>
      %min3A_570 = arith.minsi %or3A_569, %max3A_560 : vector<16xi32>
      %max3A_571 = arith.maxsi %max3A_559, %min3A_570 : vector<16xi32>
      %max3A_572 = arith.maxsi %max3A_560, %or3A_569 : vector<16xi32>
      %add3A_573 = arith.constant 46 : i32
      %add3A_574 = vector.broadcast %add3A_573 : i32 to vector<16xi32>
      %add3A_575 = arith.addi %mul3A_26, %add3A_574 : vector<16xi32>
      %gather3A_576 = tpu.vector_load_idx %arg5[%add3A_575] : memref<65536xf32, #tpu.memory_space<vmem>>[vector<16xi32>], vector<16xf32>,
      %bitcast3A_577 = vector.bitcast %gather3A_576 : vector<16xf32> to vector<16xi32>
      %and3A_578 = arith.andi %bitcast3A_577, %broadcast_in_dim3A_5 : vector<16xi32>
      %or3A_579 = arith.constant 17 : i32
      %or3A_580 = vector.broadcast %or3A_579 : i32 to vector<16xi32>
      %or3A_581 = arith.ori %and3A_578, %or3A_580 : vector<16xi32>
      %min3A_582 = arith.minsi %or3A_581, %max3A_572 : vector<16xi32>
      %max3A_583 = arith.maxsi %max3A_571, %min3A_582 : vector<16xi32>
      %max3A_584 = arith.maxsi %max3A_572, %or3A_581 : vector<16xi32>
      %add3A_585 = arith.constant 47 : i32
      %add3A_586 = vector.broadcast %add3A_585 : i32 to vector<16xi32>
      %add3A_587 = arith.addi %mul3A_26, %add3A_586 : vector<16xi32>
      %gather3A_588 = tpu.vector_load_idx %arg5[%add3A_587] : memref<65536xf32, #tpu.memory_space<vmem>>[vector<16xi32>], vector<16xf32>,
      %bitcast3A_589 = vector.bitcast %gather3A_588 : vector<16xf32> to vector<16xi32>
      %and3A_590 = arith.andi %bitcast3A_589, %broadcast_in_dim3A_5 : vector<16xi32>
      %or3A_591 = arith.constant 16 : i32
      %or3A_592 = vector.broadcast %or3A_591 : i32 to vector<16xi32>
      %or3A_593 = arith.ori %and3A_590, %or3A_592 : vector<16xi32>
      %min3A_594 = arith.minsi %or3A_593, %max3A_584 : vector<16xi32>
      %max3A_595 = arith.maxsi %max3A_583, %min3A_594 : vector<16xi32>
      %max3A_596 = arith.maxsi %max3A_584, %or3A_593 : vector<16xi32>
      %add3A_597 = arith.constant 48 : i32
      %add3A_598 = vector.broadcast %add3A_597 : i32 to vector<16xi32>
      %add3A_599 = arith.addi %mul3A_26, %add3A_598 : vector<16xi32>
      %gather3A_600 = tpu.vector_load_idx %arg5[%add3A_599] : memref<65536xf32, #tpu.memory_space<vmem>>[vector<16xi32>], vector<16xf32>,
      %bitcast3A_601 = vector.bitcast %gather3A_600 : vector<16xf32> to vector<16xi32>
      %and3A_602 = arith.andi %bitcast3A_601, %broadcast_in_dim3A_5 : vector<16xi32>
      %or3A_603 = arith.constant 15 : i32
      %or3A_604 = vector.broadcast %or3A_603 : i32 to vector<16xi32>
      %or3A_605 = arith.ori %and3A_602, %or3A_604 : vector<16xi32>
      %min3A_606 = arith.minsi %or3A_605, %max3A_596 : vector<16xi32>
      %max3A_607 = arith.maxsi %max3A_595, %min3A_606 : vector<16xi32>
      %max3A_608 = arith.maxsi %max3A_596, %or3A_605 : vector<16xi32>
      %add3A_609 = arith.constant 49 : i32
      %add3A_610 = vector.broadcast %add3A_609 : i32 to vector<16xi32>
      %add3A_611 = arith.addi %mul3A_26, %add3A_610 : vector<16xi32>
      %gather3A_612 = tpu.vector_load_idx %arg5[%add3A_611] : memref<65536xf32, #tpu.memory_space<vmem>>[vector<16xi32>], vector<16xf32>,
      %bitcast3A_613 = vector.bitcast %gather3A_612 : vector<16xf32> to vector<16xi32>
      %and3A_614 = arith.andi %bitcast3A_613, %broadcast_in_dim3A_5 : vector<16xi32>
      %or3A_615 = arith.constant 14 : i32
      %or3A_616 = vector.broadcast %or3A_615 : i32 to vector<16xi32>
      %or3A_617 = arith.ori %and3A_614, %or3A_616 : vector<16xi32>
      %min3A_618 = arith.minsi %or3A_617, %max3A_608 : vector<16xi32>
      %max3A_619 = arith.maxsi %max3A_607, %min3A_618 : vector<16xi32>
      %max3A_620 = arith.maxsi %max3A_608, %or3A_617 : vector<16xi32>
      %add3A_621 = arith.constant 50 : i32
      %add3A_622 = vector.broadcast %add3A_621 : i32 to vector<16xi32>
      %add3A_623 = arith.addi %mul3A_26, %add3A_622 : vector<16xi32>
      %gather3A_624 = tpu.vector_load_idx %arg5[%add3A_623] : memref<65536xf32, #tpu.memory_space<vmem>>[vector<16xi32>], vector<16xf32>,
      %bitcast3A_625 = vector.bitcast %gather3A_624 : vector<16xf32> to vector<16xi32>
      %and3A_626 = arith.andi %bitcast3A_625, %broadcast_in_dim3A_5 : vector<16xi32>
      %or3A_627 = arith.constant 13 : i32
      %or3A_628 = vector.broadcast %or3A_627 : i32 to vector<16xi32>
      %or3A_629 = arith.ori %and3A_626, %or3A_628 : vector<16xi32>
      %min3A_630 = arith.minsi %or3A_629, %max3A_620 : vector<16xi32>
      %max3A_631 = arith.maxsi %max3A_619, %min3A_630 : vector<16xi32>
      %max3A_632 = arith.maxsi %max3A_620, %or3A_629 : vector<16xi32>
      %add3A_633 = arith.constant 51 : i32
      %add3A_634 = vector.broadcast %add3A_633 : i32 to vector<16xi32>
      %add3A_635 = arith.addi %mul3A_26, %add3A_634 : vector<16xi32>
      %gather3A_636 = tpu.vector_load_idx %arg5[%add3A_635] : memref<65536xf32, #tpu.memory_space<vmem>>[vector<16xi32>], vector<16xf32>,
      %bitcast3A_637 = vector.bitcast %gather3A_636 : vector<16xf32> to vector<16xi32>
      %and3A_638 = arith.andi %bitcast3A_637, %broadcast_in_dim3A_5 : vector<16xi32>
      %or3A_639 = arith.constant 12 : i32
      %or3A_640 = vector.broadcast %or3A_639 : i32 to vector<16xi32>
      %or3A_641 = arith.ori %and3A_638, %or3A_640 : vector<16xi32>
      %min3A_642 = arith.minsi %or3A_641, %max3A_632 : vector<16xi32>
      %max3A_643 = arith.maxsi %max3A_631, %min3A_642 : vector<16xi32>
      %max3A_644 = arith.maxsi %max3A_632, %or3A_641 : vector<16xi32>
      %add3A_645 = arith.constant 52 : i32
      %add3A_646 = vector.broadcast %add3A_645 : i32 to vector<16xi32>
      %add3A_647 = arith.addi %mul3A_26, %add3A_646 : vector<16xi32>
      %gather3A_648 = tpu.vector_load_idx %arg5[%add3A_647] : memref<65536xf32, #tpu.memory_space<vmem>>[vector<16xi32>], vector<16xf32>,
      %bitcast3A_649 = vector.bitcast %gather3A_648 : vector<16xf32> to vector<16xi32>
      %and3A_650 = arith.andi %bitcast3A_649, %broadcast_in_dim3A_5 : vector<16xi32>
      %or3A_651 = arith.constant 11 : i32
      %or3A_652 = vector.broadcast %or3A_651 : i32 to vector<16xi32>
      %or3A_653 = arith.ori %and3A_650, %or3A_652 : vector<16xi32>
      %min3A_654 = arith.minsi %or3A_653, %max3A_644 : vector<16xi32>
      %max3A_655 = arith.maxsi %max3A_643, %min3A_654 : vector<16xi32>
      %max3A_656 = arith.maxsi %max3A_644, %or3A_653 : vector<16xi32>
      %add3A_657 = arith.constant 53 : i32
      %add3A_658 = vector.broadcast %add3A_657 : i32 to vector<16xi32>
      %add3A_659 = arith.addi %mul3A_26, %add3A_658 : vector<16xi32>
      %gather3A_660 = tpu.vector_load_idx %arg5[%add3A_659] : memref<65536xf32, #tpu.memory_space<vmem>>[vector<16xi32>], vector<16xf32>,
      %bitcast3A_661 = vector.bitcast %gather3A_660 : vector<16xf32> to vector<16xi32>
      %and3A_662 = arith.andi %bitcast3A_661, %broadcast_in_dim3A_5 : vector<16xi32>
      %or3A_663 = arith.constant 10 : i32
      %or3A_664 = vector.broadcast %or3A_663 : i32 to vector<16xi32>
      %or3A_665 = arith.ori %and3A_662, %or3A_664 : vector<16xi32>
      %min3A_666 = arith.minsi %or3A_665, %max3A_656 : vector<16xi32>
      %max3A_667 = arith.maxsi %max3A_655, %min3A_666 : vector<16xi32>
      %max3A_668 = arith.maxsi %max3A_656, %or3A_665 : vector<16xi32>
      %add3A_669 = arith.constant 54 : i32
      %add3A_670 = vector.broadcast %add3A_669 : i32 to vector<16xi32>
      %add3A_671 = arith.addi %mul3A_26, %add3A_670 : vector<16xi32>
      %gather3A_672 = tpu.vector_load_idx %arg5[%add3A_671] : memref<65536xf32, #tpu.memory_space<vmem>>[vector<16xi32>], vector<16xf32>,
      %bitcast3A_673 = vector.bitcast %gather3A_672 : vector<16xf32> to vector<16xi32>
      %and3A_674 = arith.andi %bitcast3A_673, %broadcast_in_dim3A_5 : vector<16xi32>
      %or3A_675 = arith.constant 9 : i32
      %or3A_676 = vector.broadcast %or3A_675 : i32 to vector<16xi32>
      %or3A_677 = arith.ori %and3A_674, %or3A_676 : vector<16xi32>
      %min3A_678 = arith.minsi %or3A_677, %max3A_668 : vector<16xi32>
      %max3A_679 = arith.maxsi %max3A_667, %min3A_678 : vector<16xi32>
      %max3A_680 = arith.maxsi %max3A_668, %or3A_677 : vector<16xi32>
      %add3A_681 = arith.constant 55 : i32
      %add3A_682 = vector.broadcast %add3A_681 : i32 to vector<16xi32>
      %add3A_683 = arith.addi %mul3A_26, %add3A_682 : vector<16xi32>
      %gather3A_684 = tpu.vector_load_idx %arg5[%add3A_683] : memref<65536xf32, #tpu.memory_space<vmem>>[vector<16xi32>], vector<16xf32>,
      %bitcast3A_685 = vector.bitcast %gather3A_684 : vector<16xf32> to vector<16xi32>
      %and3A_686 = arith.andi %bitcast3A_685, %broadcast_in_dim3A_5 : vector<16xi32>
      %or3A_687 = arith.constant 8 : i32
      %or3A_688 = vector.broadcast %or3A_687 : i32 to vector<16xi32>
      %or3A_689 = arith.ori %and3A_686, %or3A_688 : vector<16xi32>
      %min3A_690 = arith.minsi %or3A_689, %max3A_680 : vector<16xi32>
      %max3A_691 = arith.maxsi %max3A_679, %min3A_690 : vector<16xi32>
      %max3A_692 = arith.maxsi %max3A_680, %or3A_689 : vector<16xi32>
      %add3A_693 = arith.constant 56 : i32
      %add3A_694 = vector.broadcast %add3A_693 : i32 to vector<16xi32>
      %add3A_695 = arith.addi %mul3A_26, %add3A_694 : vector<16xi32>
      %gather3A_696 = tpu.vector_load_idx %arg5[%add3A_695] : memref<65536xf32, #tpu.memory_space<vmem>>[vector<16xi32>], vector<16xf32>,
      %bitcast3A_697 = vector.bitcast %gather3A_696 : vector<16xf32> to vector<16xi32>
      %and3A_698 = arith.andi %bitcast3A_697, %broadcast_in_dim3A_5 : vector<16xi32>
      %or3A_699 = arith.constant 7 : i32
      %or3A_700 = vector.broadcast %or3A_699 : i32 to vector<16xi32>
      %or3A_701 = arith.ori %and3A_698, %or3A_700 : vector<16xi32>
      %min3A_702 = arith.minsi %or3A_701, %max3A_692 : vector<16xi32>
      %max3A_703 = arith.maxsi %max3A_691, %min3A_702 : vector<16xi32>
      %max3A_704 = arith.maxsi %max3A_692, %or3A_701 : vector<16xi32>
      %add3A_705 = arith.constant 57 : i32
      %add3A_706 = vector.broadcast %add3A_705 : i32 to vector<16xi32>
      %add3A_707 = arith.addi %mul3A_26, %add3A_706 : vector<16xi32>
      %gather3A_708 = tpu.vector_load_idx %arg5[%add3A_707] : memref<65536xf32, #tpu.memory_space<vmem>>[vector<16xi32>], vector<16xf32>,
      %bitcast3A_709 = vector.bitcast %gather3A_708 : vector<16xf32> to vector<16xi32>
      %and3A_710 = arith.andi %bitcast3A_709, %broadcast_in_dim3A_5 : vector<16xi32>
      %or3A_711 = arith.constant 6 : i32
      %or3A_712 = vector.broadcast %or3A_711 : i32 to vector<16xi32>
      %or3A_713 = arith.ori %and3A_710, %or3A_712 : vector<16xi32>
      %min3A_714 = arith.minsi %or3A_713, %max3A_704 : vector<16xi32>
      %max3A_715 = arith.maxsi %max3A_703, %min3A_714 : vector<16xi32>
      %max3A_716 = arith.maxsi %max3A_704, %or3A_713 : vector<16xi32>
      %add3A_717 = arith.constant 58 : i32
      %add3A_718 = vector.broadcast %add3A_717 : i32 to vector<16xi32>
      %add3A_719 = arith.addi %mul3A_26, %add3A_718 : vector<16xi32>
      %gather3A_720 = tpu.vector_load_idx %arg5[%add3A_719] : memref<65536xf32, #tpu.memory_space<vmem>>[vector<16xi32>], vector<16xf32>,
      %bitcast3A_721 = vector.bitcast %gather3A_720 : vector<16xf32> to vector<16xi32>
      %and3A_722 = arith.andi %bitcast3A_721, %broadcast_in_dim3A_5 : vector<16xi32>
      %or3A_723 = arith.constant 5 : i32
      %or3A_724 = vector.broadcast %or3A_723 : i32 to vector<16xi32>
      %or3A_725 = arith.ori %and3A_722, %or3A_724 : vector<16xi32>
      %min3A_726 = arith.minsi %or3A_725, %max3A_716 : vector<16xi32>
      %max3A_727 = arith.maxsi %max3A_715, %min3A_726 : vector<16xi32>
      %max3A_728 = arith.maxsi %max3A_716, %or3A_725 : vector<16xi32>
      %add3A_729 = arith.constant 59 : i32
      %add3A_730 = vector.broadcast %add3A_729 : i32 to vector<16xi32>
      %add3A_731 = arith.addi %mul3A_26, %add3A_730 : vector<16xi32>
      %gather3A_732 = tpu.vector_load_idx %arg5[%add3A_731] : memref<65536xf32, #tpu.memory_space<vmem>>[vector<16xi32>], vector<16xf32>,
      %bitcast3A_733 = vector.bitcast %gather3A_732 : vector<16xf32> to vector<16xi32>
      %and3A_734 = arith.andi %bitcast3A_733, %broadcast_in_dim3A_5 : vector<16xi32>
      %or3A_735 = arith.constant 4 : i32
      %or3A_736 = vector.broadcast %or3A_735 : i32 to vector<16xi32>
      %or3A_737 = arith.ori %and3A_734, %or3A_736 : vector<16xi32>
      %min3A_738 = arith.minsi %or3A_737, %max3A_728 : vector<16xi32>
      %max3A_739 = arith.maxsi %max3A_727, %min3A_738 : vector<16xi32>
      %max3A_740 = arith.maxsi %max3A_728, %or3A_737 : vector<16xi32>
      %add3A_741 = arith.constant 60 : i32
      %add3A_742 = vector.broadcast %add3A_741 : i32 to vector<16xi32>
      %add3A_743 = arith.addi %mul3A_26, %add3A_742 : vector<16xi32>
      %gather3A_744 = tpu.vector_load_idx %arg5[%add3A_743] : memref<65536xf32, #tpu.memory_space<vmem>>[vector<16xi32>], vector<16xf32>,
      %bitcast3A_745 = vector.bitcast %gather3A_744 : vector<16xf32> to vector<16xi32>
      %and3A_746 = arith.andi %bitcast3A_745, %broadcast_in_dim3A_5 : vector<16xi32>
      %or3A_747 = arith.constant 3 : i32
      %or3A_748 = vector.broadcast %or3A_747 : i32 to vector<16xi32>
      %or3A_749 = arith.ori %and3A_746, %or3A_748 : vector<16xi32>
      %min3A_750 = arith.minsi %or3A_749, %max3A_740 : vector<16xi32>
      %max3A_751 = arith.maxsi %max3A_739, %min3A_750 : vector<16xi32>
      %max3A_752 = arith.maxsi %max3A_740, %or3A_749 : vector<16xi32>
      %add3A_753 = arith.constant 61 : i32
      %add3A_754 = vector.broadcast %add3A_753 : i32 to vector<16xi32>
      %add3A_755 = arith.addi %mul3A_26, %add3A_754 : vector<16xi32>
      %gather3A_756 = tpu.vector_load_idx %arg5[%add3A_755] : memref<65536xf32, #tpu.memory_space<vmem>>[vector<16xi32>], vector<16xf32>,
      %bitcast3A_757 = vector.bitcast %gather3A_756 : vector<16xf32> to vector<16xi32>
      %and3A_758 = arith.andi %bitcast3A_757, %broadcast_in_dim3A_5 : vector<16xi32>
      %or3A_759 = arith.constant 2 : i32
      %or3A_760 = vector.broadcast %or3A_759 : i32 to vector<16xi32>
      %or3A_761 = arith.ori %and3A_758, %or3A_760 : vector<16xi32>
      %min3A_762 = arith.minsi %or3A_761, %max3A_752 : vector<16xi32>
      %max3A_763 = arith.maxsi %max3A_751, %min3A_762 : vector<16xi32>
      %max3A_764 = arith.maxsi %max3A_752, %or3A_761 : vector<16xi32>
      %add3A_765 = arith.constant 62 : i32
      %add3A_766 = vector.broadcast %add3A_765 : i32 to vector<16xi32>
      %add3A_767 = arith.addi %mul3A_26, %add3A_766 : vector<16xi32>
      %gather3A_768 = tpu.vector_load_idx %arg5[%add3A_767] : memref<65536xf32, #tpu.memory_space<vmem>>[vector<16xi32>], vector<16xf32>,
      %bitcast3A_769 = vector.bitcast %gather3A_768 : vector<16xf32> to vector<16xi32>
      %and3A_770 = arith.andi %bitcast3A_769, %broadcast_in_dim3A_5 : vector<16xi32>
      %or3A_771 = arith.constant 1 : i32
      %or3A_772 = vector.broadcast %or3A_771 : i32 to vector<16xi32>
      %or3A_773 = arith.ori %and3A_770, %or3A_772 : vector<16xi32>
      %min3A_774 = arith.minsi %or3A_773, %max3A_764 : vector<16xi32>
      %max3A_775 = arith.maxsi %max3A_763, %min3A_774 : vector<16xi32>
      %max3A_776 = arith.maxsi %max3A_764, %or3A_773 : vector<16xi32>
      %add3A_777 = arith.constant 63 : i32
      %add3A_778 = vector.broadcast %add3A_777 : i32 to vector<16xi32>
      %add3A_779 = arith.addi %mul3A_26, %add3A_778 : vector<16xi32>
      %gather3A_780 = tpu.vector_load_idx %arg5[%add3A_779] : memref<65536xf32, #tpu.memory_space<vmem>>[vector<16xi32>], vector<16xf32>,
      %bitcast3A_781 = vector.bitcast %gather3A_780 : vector<16xf32> to vector<16xi32>
      %and3A_782 = arith.andi %bitcast3A_781, %broadcast_in_dim3A_5 : vector<16xi32>
      %or3A_783 = arith.constant 0 : i32
      %or3A_784 = vector.broadcast %or3A_783 : i32 to vector<16xi32>
      %or3A_785 = arith.ori %and3A_782, %or3A_784 : vector<16xi32>
      %min3A_786 = arith.minsi %or3A_785, %max3A_776 : vector<16xi32>
      %max3A_787 = arith.maxsi %max3A_775, %min3A_786 : vector<16xi32>
      %max3A_788 = arith.maxsi %max3A_776, %or3A_785 : vector<16xi32>
      %and3A_789 = arith.andi %max3A_788, %broadcast_in_dim3A_5 : vector<16xi32>
      %bitcast3A_790 = vector.bitcast %and3A_789 : vector<16xi32> to vector<16xf32>
      %and3A_791 = arith.andi %max3A_787, %broadcast_in_dim3A_5 : vector<16xi32>
      %bitcast3A_792 = vector.bitcast %and3A_791 : vector<16xi32> to vector<16xf32>
      %and3A_793 = arith.constant 63 : i32
      %and3A_794 = vector.broadcast %and3A_793 : i32 to vector<16xi32>
      %and3A_795 = arith.andi %max3A_788, %and3A_794 : vector<16xi32>
      %sub3A = arith.constant 63 : i32
      %sub3A_796 = vector.broadcast %sub3A : i32 to vector<16xi32>
      %sub3A_797 = arith.subi %sub3A_796, %and3A_795 : vector<16xi32>
      %and3A_798 = arith.constant 63 : i32
      %and3A_799 = vector.broadcast %and3A_798 : i32 to vector<16xi32>
      %and3A_800 = arith.andi %max3A_787, %and3A_799 : vector<16xi32>
      %sub3A_801 = arith.constant 63 : i32
      %sub3A_802 = vector.broadcast %sub3A_801 : i32 to vector<16xi32>
      %sub3A_803 = arith.subi %sub3A_802, %and3A_800 : vector<16xi32>
      %add3A_804 = arith.addf %bitcast3A_790, %bitcast3A_792 : vector<16xf32>
      %mul3A_805 = arith.constant 2 : i32
      %mul3A_806 = vector.broadcast %mul3A_805 : i32 to vector<16xi32>
      %mul3A_807 = arith.muli %add3A_19, %mul3A_806 : vector<16xi32>
      %div3A = arith.divf %bitcast3A_790, %add3A_804 : vector<16xf32>
      tpu.vector_store_idx %arg6[%mul3A_807], %div3A : memref<2048xf32, #tpu.memory_space<vmem>>[vector<16xi32>], vector<16xf32>,
      %add3A_808 = arith.constant 1 : i32
      %add3A_809 = vector.broadcast %add3A_808 : i32 to vector<16xi32>
      %add3A_810 = arith.addi %mul3A_807, %add3A_809 : vector<16xi32>
      %div3A_811 = arith.divf %bitcast3A_792, %add3A_804 : vector<16xf32>
      tpu.vector_store_idx %arg6[%add3A_810], %div3A_811 : memref<2048xf32, #tpu.memory_space<vmem>>[vector<16xi32>], vector<16xf32>,
      tpu.vector_store_idx %arg7[%mul3A_807], %sub3A_797 : memref<2048xi32, #tpu.memory_space<vmem>>[vector<16xi32>], vector<16xi32>,
      %add3A_812 = arith.constant 1 : i32
      %add3A_813 = vector.broadcast %add3A_812 : i32 to vector<16xi32>
      %add3A_814 = arith.addi %mul3A_807, %add3A_813 : vector<16xi32>
      tpu.vector_store_idx %arg7[%add3A_814], %sub3A_803 : memref<2048xi32, #tpu.memory_space<vmem>>[vector<16xi32>], vector<16xi32>,
    }
    %scan3A_10 = arith.constant 64 : i32
    %mul3A_11 = arith.constant 2 : i32
    %mul3A_12 = arith.muli %mul3A_2, %mul3A_11 : i32
    "tpu.region"() ({
      %run_scoped3A = tpu.sem_alloc : memref<!tpu.dma_semaphore, #tpu.memory_space<semaphore_mem>>
      %dma_start3A = tpu.memref_slice %arg3[%mul3A_12] : memref<65536xf32, #tpu.memory_space<hbm>> -> memref<2048xf32, #tpu.memory_space<hbm>>
      %dma_start3A_15 = tpu.memref_slice %arg3[%mul3A_12] : memref<65536xf32, #tpu.memory_space<hbm>> -> memref<2048xf32, #tpu.memory_space<hbm>>
      tpu.enqueue_dma source(%arg6 : memref<2048xf32, #tpu.memory_space<vmem>>) target(%dma_start3A_15 : memref<2048xf32, #tpu.memory_space<hbm>>) target_semaphore(%run_scoped3A : memref<!tpu.dma_semaphore, #tpu.memory_space<semaphore_mem>>)
      %dma_wait3A = tpu.memref_slice %arg3[%mul3A_12] : memref<65536xf32, #tpu.memory_space<hbm>> -> memref<2048xf32, #tpu.memory_space<hbm>>
      %dma_wait3A_16 = tpu.memref_slice %arg3[%mul3A_12] : memref<65536xf32, #tpu.memory_space<hbm>> -> memref<2048xf32, #tpu.memory_space<hbm>>
      tpu.wait_dma2 semaphore(%run_scoped3A : memref<!tpu.dma_semaphore, #tpu.memory_space<semaphore_mem>>) src(%arg6 : memref<2048xf32, #tpu.memory_space<vmem>>) dst(%dma_wait3A_16 : memref<2048xf32, #tpu.memory_space<hbm>>)
      tpu.yield
    }) : () -> ()
    %mul3A_13 = arith.constant 2 : i32
    %mul3A_14 = arith.muli %mul3A_2, %mul3A_13 : i32
    "tpu.region"() ({
      %run_scoped3A = tpu.sem_alloc : memref<!tpu.dma_semaphore, #tpu.memory_space<semaphore_mem>>
      %dma_start3A = tpu.memref_slice %arg4[%mul3A_14] : memref<65536xi32, #tpu.memory_space<hbm>> -> memref<2048xi32, #tpu.memory_space<hbm>>
      %dma_start3A_15 = tpu.memref_slice %arg4[%mul3A_14] : memref<65536xi32, #tpu.memory_space<hbm>> -> memref<2048xi32, #tpu.memory_space<hbm>>
      tpu.enqueue_dma source(%arg7 : memref<2048xi32, #tpu.memory_space<vmem>>) target(%dma_start3A_15 : memref<2048xi32, #tpu.memory_space<hbm>>) target_semaphore(%run_scoped3A : memref<!tpu.dma_semaphore, #tpu.memory_space<semaphore_mem>>)
      %dma_wait3A = tpu.memref_slice %arg4[%mul3A_14] : memref<65536xi32, #tpu.memory_space<hbm>> -> memref<2048xi32, #tpu.memory_space<hbm>>
      %dma_wait3A_16 = tpu.memref_slice %arg4[%mul3A_14] : memref<65536xi32, #tpu.memory_space<hbm>> -> memref<2048xi32, #tpu.memory_space<hbm>>
      tpu.wait_dma2 semaphore(%run_scoped3A : memref<!tpu.dma_semaphore, #tpu.memory_space<semaphore_mem>>) src(%arg7 : memref<2048xi32, #tpu.memory_space<vmem>>) dst(%dma_wait3A_16 : memref<2048xi32, #tpu.memory_space<hbm>>)
      tpu.yield
    }) : () -> ()
    return
  }
}

module attributes {stable_mosaic.version = 14 : i64} {
  func.func @_softmax_body(%arg0: i32, %arg1: memref<4096x768xf32, #tpu.memory_space<vmem>>, %arg2: memref<768x64xf32, #tpu.memory_space<vmem>>, %arg3: memref<1x64xf32, #tpu.memory_space<vmem>>, %arg4: memref<4096x64xf32, #tpu.memory_space<vmem>>) attributes {dimension_semantics = [#tpu.dimension_semantics<arbitrary>], iteration_bounds = array<i64: 8>, scalar_prefetch = 0 : i64, scratch_operands = 0 : i64, tpu.core_type = #tpu.core_type<tc>, window_params = [{transform_indices = @transform_0, window_bounds = array<i64: 4096, 768>}, {pipeline_mode = #tpu.pipeline_mode<synchronous>, transform_indices = @transform_1, window_bounds = array<i64: 768, 64>}, {pipeline_mode = #tpu.pipeline_mode<synchronous>, transform_indices = @transform_2, window_bounds = array<i64: 1, 64>}, {transform_indices = @transform_3, window_bounds = array<i64: 4096, 64>}]} {
    %get3A = arith.constant 0 : index
    %get3A_0 = arith.constant 0 : index
    %get3A_1 = vector.load %arg1[%get3A, %get3A_0] : memref<4096x768xf32, #tpu.memory_space<vmem>>, vector<4096x768xf32>
    %get3A_2 = arith.constant 0 : index
    %get3A_3 = arith.constant 0 : index
    %get3A_4 = vector.load %arg2[%get3A_2, %get3A_3] : memref<768x64xf32, #tpu.memory_space<vmem>>, vector<768x64xf32>
    %dot_general3A = arith.constant dense<0.000000e+00> : vector<4096x64xf32>
    %dot_general3A_5 = tpu.matmul %get3A_1, %get3A_4, %dot_general3A {dimension_numbers = #tpu.dot_dimension_numbers<[1], [0], [0], [1], [0, 0, 1, 1], [], []>, transpose_lhs_hint = false} : vector<4096x768xf32>, vector<768x64xf32>, vector<4096x64xf32> -> vector<4096x64xf32>
    %get3A_6 = arith.constant 0 : index
    %get3A_7 = arith.constant 0 : index
    %get3A_8 = vector.load %arg3[%get3A_6, %get3A_7] : memref<1x64xf32, #tpu.memory_space<vmem>>, vector<1x64xf32>
    %add3A = vector.broadcast %get3A_8 : vector<1x64xf32> to vector<4096x64xf32>
    %add3A_9 = arith.addf %dot_general3A_5, %add3A : vector<4096x64xf32>
    %reduce_max3A = arith.constant dense<0xFF800000> : vector<4096xf32>
    %reduce_max3A_10 = vector.multi_reduction <maximumf>, %add3A_9, %reduce_max3A [1] : vector<4096x64xf32> to vector<4096xf32>
    %broadcast_in_dim3A = vector.shape_cast %reduce_max3A_10 : vector<4096xf32> to vector<4096x1xf32>
    %sub3A = vector.broadcast %broadcast_in_dim3A : vector<4096x1xf32> to vector<4096x64xf32>
    %sub3A_11 = arith.subf %add3A_9, %sub3A : vector<4096x64xf32>
    %exp3A = math.exp %sub3A_11 : vector<4096x64xf32>
    %reduce_sum3A = arith.constant dense<0.000000e+00> : vector<4096xf32>
    %reduce_sum3A_12 = vector.multi_reduction <add>, %exp3A, %reduce_sum3A [1] : vector<4096x64xf32> to vector<4096xf32>
    %broadcast_in_dim3A_13 = vector.shape_cast %reduce_sum3A_12 : vector<4096xf32> to vector<4096x1xf32>
    %div3A = vector.broadcast %broadcast_in_dim3A_13 : vector<4096x1xf32> to vector<4096x64xf32>
    %div3A_14 = arith.divf %exp3A, %div3A : vector<4096x64xf32>
    %swap3A = arith.constant 0 : index
    %swap3A_15 = arith.constant 0 : index
    %swap3A_16 = vector.load %arg4[%swap3A, %swap3A_15] : memref<4096x64xf32, #tpu.memory_space<vmem>>, vector<4096x64xf32>
    tpu.vector_store %arg4[%swap3A, %swap3A_15], %div3A_14 {strides = array<i32>} : memref<4096x64xf32, #tpu.memory_space<vmem>>, vector<4096x64xf32>,
    return
  }
  func.func @transform_0(%arg0: i32) -> (i32, i32) {
    %c0_i32 = arith.constant 0 : i32
    %c0_i32_0 = arith.constant 0 : i32
    return %arg0, %c0_i32 : i32, i32
  }
  func.func @transform_1(%arg0: i32) -> (i32, i32) {
    %c0_i32 = arith.constant 0 : i32
    %c0_i32_0 = arith.constant 0 : i32
    %c0_i32_1 = arith.constant 0 : i32
    return %c0_i32, %c0_i32_0 : i32, i32
  }
  func.func @transform_2(%arg0: i32) -> (i32, i32) {
    %c0_i32 = arith.constant 0 : i32
    %c0_i32_0 = arith.constant 0 : i32
    %c0_i32_1 = arith.constant 0 : i32
    return %c0_i32, %c0_i32_0 : i32, i32
  }
  func.func @transform_3(%arg0: i32) -> (i32, i32) {
    %c0_i32 = arith.constant 0 : i32
    %c0_i32_0 = arith.constant 0 : i32
    return %arg0, %c0_i32 : i32, i32
  }
}

</mosaic_0001>

<sc_bundles>
// kernel: kernel.4.cloned.1.call-start
scs
__scs_entry_jumppad:
0x0: {  	(pc) =	sbr.rel $0x88, $3  }
0x1: {  	(tag) =	ssettag $0x0;
	lr =	simm.s32 $0x1  }
0x2: {  	[smem:$0x3F9E] =	sst lr;
	_ =	strace $0xD0000000  }
0x3: {  	_ = 	snop  }
0x4: {  	_ = 	snop  }
0x5: {  	_ = 	snop  }
0x6: {  	_ = 	snop  }
0x7: {  	_ = 	snop  }
__scs_overlays_trampoline_lowered:
0x8: {  	[smem:$0x3FAD] =	sst s0  }
0x9: {  	[smem:$0x3FAE] =	sst s1  }
0xa: {  	[smem:$0x3FAF] =	sst s2  }
0xb: {  	[smem:$0x3FB0] =	sst s3  }
0xc: {  	[smem:$0x3FB1] =	sst s4  }
0xd: {  	[smem:$0x3FB2] =	sst s5  }
0xe: {  	[smem:$0x3FB3] =	sst s6  }
0xf: {  	[smem:$0x3FB4] =	sst s7  }
0x10: {  	[smem:$0x3FB5] =	sst s8  }
0x11: {  	[smem:$0x3FB6] =	sst s9;
	s0 =	simm.s32 @!p0 $0x0  }
0x12: {  	s1 =	sld [smem:$0x3F9C];
	s0 =	simm.s32 @p0 $0x1  }
0x13: {  	[smem:$0x3FB7] =	sst s0;
	s0 =	simm.s32 @!p1 $0x0  }
0x14: {  	s2 =	sld [smem:$0x3F9B];
	s0 =	simm.s32 @p1 $0x1  }
0x15: {  	[smem:$0x3FB8] =	sst s0;
	s0 =	simm.s32 @!p2 $0x0  }
0x16: {  	s3 =	sld [smem:$0x3FDB];
	s0 =	simm.s32 @p2 $0x1  }
0x17: {  	s4 =	simm.s32 $0x1BF5;
	[smem:$0x3FBA] =	sst s0  }
0x18: {  	s0 =	sld [smem:$0x3F9D];
	_ =	swait.ge [sflag:s4], $0x0  }
0x19: {  	s7 =	sld [smem:$0x3F9E]  }
0x1a: {  	s8 =	sadd.s32 $0xFFFFE003, lr  }
0x1b: {  	s9 =	sadd.s32 $0xFFFFFEF7, lr;
	s5 =	simm.s32 $0xFFFFFFFF;
	p2 =	slt.u32 s8, $0xFFFFF086  }
0x1c: {  	p1 =	slt.u32 s9, $0xF7A;
	s5 =	simm.s32 @!p2 $0x0  }
0x1d: {  	s5 =	simm.s32 @p1 $0x1;
	p0 =	seq.s32 s7, s2  }
0x1e: {  	s7 =	smul.u32 @!p0 $0xF7A, s2;
	p2 =	seq.s32 @!p0 s5, $0x0  }
0x1f: {  	s9 =	smul.u32 $0xF7A, s1;
	s8 =	simm.s32 @!p0 $0x1BF5;
	p2 =	por !p2, p0  }
0x20: {  	[sflag:s8] =	ssyncset.s32 @!p0 $0xFFFFF086;
	s6 =	sadd.s32 @!p0 s3, s7;
	s7 =	simm.s32 @!p0 $0x108  }
0x21: {  	s3 =	sadd.s32 s3, s9;
	s6 =	sadd.s32 @!p0 $0x88, s6;
	s7 =	simm.s32 @p2 $0x1082  }
0x22: {  	[simem:s7], [sflag:s8] =	dma.local @!p0 [hbm:s6], $0xF7A  }
0x23: {  	s9 =	sor.u32 $0xD0000000, s2;
	s6 =	simm.s32 $0x108;
	_ =	swait.ge @!p0 [sflag:s8], $0x0  }
0x24: {  	s3 =	sadd.s32 $0x88, s3;
	s6 =	simm.s32 @!p1 $0x1082;
	[sflag:s4] =	ssyncset.s32 $0xFFFFF086  }
0x25: {  	[simem:s6], [sflag:s4] =	dma.local [hbm:s3], $0xF7A  }
0x26: {  	[smem:$0x3F9E] =	sst s1;
	(tag) =	ssettag s2;
	_ =	strace s9  }
0x27: {  	s1 =	sld [smem:$0x3FAE]  }
0x28: {  	s2 =	sld [smem:$0x3FAF]  }
0x29: {  	s4 =	sld [smem:$0x3FB1]  }
0x2a: {  	p0 =	seq.s32 s5, $0x0;
	s5 =	sld [smem:$0x3FB2]  }
0x2b: {  	s6 =	sld [smem:$0x3FB3]  }
0x2c: {  	s7 =	sld [smem:$0x3FB4]  }
0x2d: {  	s3 =	simm.s32 $0x108;
	s8 =	sld [smem:$0x3FB5]  }
0x2e: {  	s3 =	simm.s32 @!p0 $0x1082;
	s9 =	sld [smem:$0x3FB6]  }
0x2f: {  	lr =	sadd.s32 s0, s3;
	s0 =	sld [smem:$0x3FAD]  }
0x30: {  	s3 =	sld [smem:$0x3FB0]  }
0x31: {  	[smem:$0x3FB9] =	sst s10  }
0x32: {  	s10 =	sld [smem:$0x3FB7];
	_ =	sdelay $0x3  }
0x33: {  	p0 =	seq.s32 s10, $0x1;
	s10 =	sld [smem:$0x3FB9];
	_ =	sdelay $0x3  }
0x34: {  	[smem:$0x3FB9] =	sst s10  }
0x35: {  	s10 =	sld [smem:$0x3FB8];
	_ =	sdelay $0x3  }
0x36: {  	p1 =	seq.s32 s10, $0x1;
	s10 =	sld [smem:$0x3FB9];
	_ =	sdelay $0x3  }
0x37: {  	[smem:$0x3FB9] =	sst s10  }
0x38: {  	s10 =	sld [smem:$0x3FBA]  }
0x39: {  	_ = 	snop;
	(pc) =	sbr.ind lr, $3  }
0x3a: {  	_ = 	snop  }
0x3b: {  	_ = 	snop  }
0x3c: {  	p2 =	seq.s32 s10, $0x1;
	s10 =	sld [smem:$0x3FB9]  }
0x3d: {  	_ =	shalt  }
0x3e: {  	_ =	shalt  }
0x3f: {  	_ =	shalt  }
0x40: {  	_ =	shalt  }
0x41: {  	_ =	shalt  }
0x42: {  	_ =	shalt  }
0x43: {  	_ =	shalt  }
0x44: {  	_ =	shalt  }
0x45: {  	_ =	shalt  }
0x46: {  	_ =	shalt  }
0x47: {  	_ =	shalt  }
0x48: {  	_ =	shalt  }
0x49: {  	_ =	shalt  }
0x4a: {  	_ =	shalt  }
0x4b: {  	_ =	shalt  }
0x4c: {  	_ =	shalt  }
0x4d: {  	_ =	shalt  }
0x4e: {  	_ =	shalt  }
0x4f: {  	_ =	shalt  }
0x50: {  	_ =	shalt  }
0x51: {  	_ =	shalt  }
0x52: {  	_ =	shalt  }
0x53: {  	_ =	shalt  }
0x54: {  	_ =	shalt  }
0x55: {  	_ =	shalt  }
0x56: {  	_ =	shalt  }
0x57: {  	_ =	shalt  }
0x58: {  	_ =	shalt  }
0x59: {  	_ =	shalt  }
0x5a: {  	_ =	shalt  }
0x5b: {  	_ =	shalt  }
0x5c: {  	_ =	shalt  }
0x5d: {  	_ =	shalt  }
0x5e: {  	_ =	shalt  }
0x5f: {  	_ =	shalt  }
0x60: {  	_ =	shalt  }
0x61: {  	_ =	shalt  }
0x62: {  	_ =	shalt  }
0x63: {  	_ =	shalt  }
0x64: {  	_ =	shalt  }
0x65: {  	_ =	shalt  }
0x66: {  	_ =	shalt  }
0x67: {  	_ =	shalt  }
0x68: {  	_ =	shalt  }
0x69: {  	_ =	shalt  }
0x6a: {  	_ =	shalt  }
0x6b: {  	_ =	shalt  }
0x6c: {  	_ =	shalt  }
0x6d: {  	_ =	shalt  }
0x6e: {  	_ =	shalt  }
0x6f: {  	_ =	shalt  }
0x70: {  	_ =	shalt  }
0x71: {  	_ =	shalt  }
0x72: {  	_ =	shalt  }
0x73: {  	_ =	shalt  }
0x74: {  	_ =	shalt  }
0x75: {  	_ =	shalt  }
0x76: {  	_ =	shalt  }
0x77: {  	_ =	shalt  }
0x78: {  	_ =	shalt  }
0x79: {  	_ =	shalt  }
0x7a: {  	_ =	shalt  }
0x7b: {  	_ =	shalt  }
0x7c: {  	_ =	shalt  }
0x7d: {  	_ =	shalt  }
0x7e: {  	_ =	shalt  }
0x7f: {  	_ =	shalt  }
0x80: {  	_ =	shalt  }
0x81: {  	_ =	shalt  }
0x82: {  	_ =	shalt  }
0x83: {  	_ =	shalt  }
0x84: {  	_ =	shalt  }
0x85: {  	_ =	shalt  }
0x86: {  	_ =	shalt  }
0x87: {  	_ =	shalt  }
.Lfunc_end0:
.L_simem_size_0:
called_computation_lowered:
.L_overlay_start_0:
0x88: {  	s2 =	sld [smem:$0x3FD9]  }
0x89: {  	s3 =	sld [smem:$0x3FFE];
	_ =	sdelay $0x1  }
0x8a: {  	s1 =	srdreg.scid  }
0x8b: {  	s0 =	sand.u32 $0x1, s1  }
0x8c: {  	s14 =	sshll.u32 s0, $0xA;
	s2 =	sadd.s32 s3, s2  }
0x8d: {  	s2 =	sadd.s32 s2, s14  }
0x8e: {  	[smem:$0x3FC5] =	sst s2  }
0x8f: {  	_ = 	snop  }
0x90: {  	s2 =	sld [smem:$0x3FD0];
	_ =	sdelay $0x2  }
0x91: {  	s15 =	simm.s32 $0xA;
	s4 =	simm.s32 $0x10  }
0x92: {  	[smem:s4], [sflag:s15] =	dma.local [hbm:s2], $0x1  }
0x93: {  	_ =	swait.eq [sflag:s15], $0x1  }
0x94: {  	[sflag:s15] =	ssyncset.done $0x0  }
0x95: {  	[sflag:s15] =	ssyncadd.s32 $0xFFFFFFFF  }
0x96: {  	s16 =	sld [smem:$0x11];
	(tm) =	ssettm $0x1  }
0x97: {  	s17 =	sld [smem:$0x3FFB];
	_ =	sdelay $0x3  }
0x98: {  	_ =	strace s17  }
0x99: {  	s3 =	sld [smem:$0x3FFC];
	_ =	sdelay $0x3  }
0x9a: {  	_ =	strace s3  }
0x9b: {  	s3 =	sld [smem:$0x3FFD];
	_ =	sdelay $0x3  }
0x9c: {  	_ =	strace s3  }
0x9d: {  	_ =	strace $0x8FFFFFFF  }
0x9e: {  	s18 =	sld [smem:$0x3FDB];
	_ =	sdelay $0x1  }
0x9f: {  	s19 =	simm.s32 $_scs_section_size  }
0xa0: {  	s5 =	simm.s32 $_size__tile_overlayer_lowered;
	s6 =	simm.s32 $_tile_overlayer_lowered  }
0xa1: {  	s22 =	simm.s32 $0x1BFF;
	s21 =	sshll.u32 s6, $0x1;
	s3 =	sadd.s32 s19, s18  }
0xa2: {  	s7 =	simm.s32 $0x0;
	s20 =	sshll.u32 s5, $0x1;
	s5 =	sadd.s32 s21, s3  }
0xa3: {  	[timem:s7], [sflag:s22] =	dma.local [hbm:s5], s20  }
0xa4: {  	_ =	swait.ge [sflag:s22], s20  }
0xa5: {  	s4 =	ssub.s32 $0x0, s20;
	[sflag:s22] =	ssyncset.done $0x0  }
0xa6: {  	[sflag:s22] =	ssyncadd.s32 s4;
	_ =	sdelay $0x1  }
0xa7: {  	s23 =	simm.s32 $0x1B8B  }
0xa8: {  	_ =	swait.ge [sflag:s23], $0x1  }
0xa9: {  	[sflag:s23] =	ssyncset.done $0x0  }
0xaa: {  	s25 =	simm.s32 $0x1B8E;
	s24 =	sld [smem:$0x3FFE];
	[sflag:s23] =	ssyncadd.s32 $0xFFFFFFFF  }
0xab: {  	s26 =	simm.s32 $execute0_lowered;
	[smem:$0x3FD2] =	sst s25  }
0xac: {  	s5 =	sshll.u32 s26, $0x1;
	_ =	strace $0x80000046;
	[dreg:$0x1] =	wrdreg $0xFFFFFFFF  }
0xad: {  	s28 =	simm.s32 $_size_execute0_lowered;
	s3 =	sadd.s32 s3, s5;
	[dreg:$0x0] =	wrdreg $0x0  }
0xae: {  	s5 =	sshll.u32 s28, $0x1;
	[dreg:$0x2] =	wrdreg s3  }
0xaf: {  	[dreg:$0x3] =	wrdreg s5  }
0xb0: {  	[dreg:$0x4] =	wrdreg $0xC0  }
0xb1: {  	_ =	task [dreg:s7], $0x5FFFF  }
0xb2: {  	[dreg:$0x1] =	wrdreg $0xFFFFFFFF  }
0xb3: {  	[dreg:$0x0] =	wrdreg $0x60  }
0xb4: {  	[dreg:$0x2] =	wrdreg s24  }
0xb5: {  	[dreg:$0x3] =	wrdreg s16  }
0xb6: {  	[dreg:$0x4] =	wrdreg $0x9  }
0xb7: {  	_ =	task.clear_ibuf [dreg:s7], $0x5FFFF;
	_ =	strace $0x90000046  }
0xb8: {  	s29 =	simm.s32 $0x9;
	_ =	strace $0x80000048  }
0xb9: {  	_ =	swait.ge [sflag:s29], $0x1  }
0xba: {  	[sflag:s29] =	ssyncadd.s32 $0xFFFFFFFF  }
0xbb: {  	_ =	strace $0x90000048  }
0xbc: {  	_ =	sfence  }
0xbd: {  	s30 =	sld [smem:$0x0];
	_ =	sdelay $0x2  }
0xbe: {  	s31 =	sshll.u32 s1, $0xD;
	s1 =	sshrl.u32 s1, $0x2  }
0xbf: {  	s3 =	sand.u32 $0x4000, s31;
	s1 =	sadd.s32 s1, s30  }
0xc0: {  	s0 =	sor.u32 s3, s0;
	s1 =	sshll.u32 s1, $0x11  }
0xc1: {  	s0 =	sor.u32 s1, s0  }
0xc2: {  	s0 =	sadd.s32 $0x8F2B, s0  }
0xc3: {  	[sflag:s0] =	ssyncadd.remote.s32 $0x1  }
0xc4: {  	_ =	sfence.sel $0xFFFF  }
0xc5: {  	[dreg:$0x0] =	wrdreg $0xFFFFFFFF;
	(pc) =	sbr.abs _section_cstart, $3  }
0xc6: {  	[dreg:$0x1] =	wrdreg $0xFFFFFFFF  }
0xc7: {  	_ =	task.clear_ibuf [dreg:s7], $0x2FFFF;
	_ =	strace $0x9FFFFFFF  }
0xc8: {  	(tm) =	ssettm $0x7FFFFFFF  }
0xc9: {  	_ =	shalt  }
tec
execute0_lowered:
.L_overlay_start_1:
0x0: {  	(tag) =	ssettag $0x1  }
0x1: {  	s3 =	rddreg [dreg:$0x0]  }
0x2: {  	s4 =	rddreg [dreg:$0x1]  }
0x3: {  	s0 =	rddreg [dreg:$0x2]  }
0x4: {  	s5 =	srdreg.scid;
	s1 =	stileid.u32  }
0x5: {  	s2 =	simm.s32 $0x0;
	s5 =	sand.u32 $0x1, s5;
	s6 =	sshll.u32 s1, $0x1  }
0x6: {  	s10 =	simm.s32 $0x0;
	[smem:$0x7FF] =	sst s2;
	s6 =	sor.u32 s5, s6  }
0x7: {  	_ =	strace $0x80000047;
	s5 =	ssub.s32 $0x2, s5;
	s7 =	sshll.u32 s6, $0xD  }
0x8: {  	s6 =	sshll.u32 s6, $0x8;
	s31 =	sshrl.u32 s5, $0x1;
	s7 =	sadd.s32 s7, s3  }
0x9: {  	s8 =	sadd.s32 s6, s3;
	s9 =	ssub.s32 s5, s31;
	s4 =	sadd.s32 s4, s6  }
0xa: {  	s3 =	sadd.s32 $0xC00, s7;
	s5 =	sadd.s32 $0x40C00, s8;
	s6 =	smax.u32 s9, $0x1  }
0xb: {  	v0 =	vlaneseq.u32;
	s7 =	simm.s32 $0x1;
	s8 =	simm.s32 $0x10000;
	s9 =	simm.s32 $0x10800  }
.LBB2_1:
0xc: {  	[tilespmem:s2], [sflag:$0x1] =	stream.linear.gather [hbm4b:s3+s2], $0x10000, $0x38;
	[tilespmem:$0x11000] =	vst v63  }
0xd: {  	_ =	swait.ge [sflag:s7], $0x10000  }
0xe: {  	[sflag:s7] =	ssyncset.done $0x0  }
0xf: {  	s11 =	simm.s32 $0x0;
	[sflag:s7] =	ssyncadd.s32 $0xFFFF0000  }
.LBB2_2:
0x10: {  	v1 =	vor.u32 s11, v0  }
0x11: {  	v2 =	vshll.u32 v1, $0x6  }
0x12: {  	v3 =	vor.u32 $0x1, v2  }
0x13: {  	v4 =	vor.u32 $0x2, v2  }
0x14: {  	v6 =	vor.u32 $0x3, v2  }
0x15: {  	v7 =	vor.u32 $0x4, v2  }
0x16: {  	v8 =	vor.u32 $0x5, v2;
	v5 =	vld.idx.msk [tilespmem:v2+s2+$0x0], $0xffff  }
0x17: {  	v39 =	vor.u32 $0x7, v2;
	v3 =	vld.idx.msk [tilespmem:v3+s2+$0x0], $0xffff  }
0x18: {  	v49 =	vor.u32 $0xA, v2;
	v4 =	vld.idx.msk [tilespmem:v4+s2+$0x0], $0xffff  }
0x19: {  	v53 =	vor.u32 $0xB, v2;
	v6 =	vld.idx.msk [tilespmem:v6+s2+$0x0], $0xffff  }
0x1a: {  	v57 =	vor.u32 $0xC, v2;
	v7 =	vld.idx.msk [tilespmem:v7+s2+$0x0], $0xffff  }
0x1b: {  	v61 =	vor.u32 $0xD, v2;
	v8 =	vld.idx.msk [tilespmem:v8+s2+$0x0], $0xffff  }
0x1c: {  	v13 =	vor.u32 $0xE, v2;
	v45 =	vld.idx.msk [tilespmem:v39+s2+$0x0], $0xffff  }
0x1d: {  	v17 =	vor.u32 $0xF, v2;
	v56 =	vld.idx.msk [tilespmem:v49+s2+$0x0], $0xffff  }
0x1e: {  	v21 =	vor.u32 $0x10, v2;
	v60 =	vld.idx.msk [tilespmem:v53+s2+$0x0], $0xffff  }
0x1f: {  	v25 =	vor.u32 $0x11, v2;
	v12 =	vld.idx.msk [tilespmem:v57+s2+$0x0], $0xffff  }
0x20: {  	v38 =	vor.u32 $0x6, v2;
	v29 =	vor.u32 $0x12, v2;
	v16 =	vld.idx.msk [tilespmem:v61+s2+$0x0], $0xffff  }
0x21: {  	v42 =	vor.u32 $0x8, v2;
	v46 =	vor.u32 $0x9, v2;
	v33 =	vor.u32 $0x13, v2;
	v20 =	vld.idx.msk [tilespmem:v13+s2+$0x0], $0xffff  }
0x22: {  	v37 =	vor.u32 $0x14, v2;
	v24 =	vld.idx.msk [tilespmem:v17+s2+$0x0], $0xffff;
	v49 =	vor.u32 $0x17, v2;
	v53 =	vor.u32 $0x18, v2  }
0x23: {  	v28 =	vld.idx.msk [tilespmem:v21+s2+$0x0], $0xffff;
	v57 =	vor.u32 $0x19, v2;
	v61 =	vor.u32 $0x1A, v2;
	v13 =	vor.u32 $0x1B, v2  }
0x24: {  	v32 =	vld.idx.msk [tilespmem:v25+s2+$0x0], $0xffff;
	v17 =	vor.u32 $0x1C, v2;
	v21 =	vor.u32 $0x1D, v2;
	v5 =	vor.u32 $0x3F, v5  }
0x25: {  	v36 =	vld.idx.msk [tilespmem:v29+s2+$0x0], $0xffff;
	v25 =	vor.u32 $0x1E, v2;
	v29 =	vor.u32 $0x1F, v2;
	vm0 =	vgt.s32 v5, $0x0  }
0x26: {  	v52 =	vld.idx.msk [tilespmem:v46+s2+$0x0], $0xffff;
	v3 =	vand.u32 $0xFFFFFFC0, v3;
	v4 =	vand.u32 $0xFFFFFFC0, v4;
	v6 =	vand.u32 $0xFFFFFFC0, v6  }
0x27: {  	v7 =	vand.u32 $0xFFFFFFC0, v7;
	v8 =	vand.u32 $0xFFFFFFC0, v8;
	v5 =	vnsel vm0, $0x0, v5  }
0x28: {  	v3 =	vor.u32 $0x3E, v3;
	v4 =	vor.u32 $0x3D, v4;
	v6 =	vor.u32 $0x3C, v6  }
0x29: {  	v41 =	vor.u32 $0x3B, v7;
	v44 =	vor.u32 $0x3A, v8;
	v8 =	vand.u32 $0xFFFFFFC0, v45  }
0x2a: {  	v45 =	vor.u32 $0x16, v2;
	vm0 =	vgt.s32 v5, v3;
	vm1 =	vlt.s32 v3, v5  }
0x2b: {  	v51 =	vor.u32 $0x38, v8;
	v8 =	vand.u32 $0xFFFFFFC0, v52;
	v9 =	vsel vm0, v5, v3  }
0x2c: {  	v48 =	vld.idx.msk [tilespmem:v42+s2+$0x0], $0xffff;
	v3 =	vsel vm1, v3, v5;
	v59 =	vor.u32 $0x36, v8;
	v8 =	vand.u32 $0xFFFFFFC0, v60  }
0x2d: {  	v60 =	vld.idx.msk [tilespmem:v53+s2+$0x0], $0xffff;
	v53 =	vor.u32 $0x25, v2;
	vm0 =	vlt.s32 v4, v9;
	vm14 =	vgt.s32 v9, v4  }
0x2e: {  	v15 =	vor.u32 $0x34, v8;
	v8 =	vand.u32 $0xFFFFFFC0, v16;
	v16 =	vld.idx.msk [tilespmem:v61+s2+$0x0], $0xffff;
	v61 =	vor.u32 $0x27, v2  }
0x2f: {  	v5 =	vld.idx.msk [tilespmem:v38+s2+$0x0], $0xffff;
	v10 =	vsel vm0, v4, v9;
	v4 =	vsel vm14, v9, v4;
	v23 =	vor.u32 $0x32, v8  }
0x30: {  	v8 =	vand.u32 $0xFFFFFFC0, v24;
	v24 =	vld.idx.msk [tilespmem:v17+s2+$0x0], $0xffff;
	v17 =	vor.u32 $0x29, v2;
	vm15 =	vgt.s32 v3, v10  }
0x31: {  	vm4 =	vlt.s32 v6, v4;
	vm5 =	vgt.s32 v4, v6;
	v31 =	vor.u32 $0x30, v8;
	v52 =	vld.idx.msk [tilespmem:v45+s2+$0x0], $0xffff  }
0x32: {  	v8 =	vand.u32 $0xFFFFFFC0, v32;
	v32 =	vld.idx.msk [tilespmem:v25+s2+$0x0], $0xffff;
	v45 =	vor.u32 $0x23, v2;
	v25 =	vor.u32 $0x2B, v2  }
0x33: {  	v3 =	vsel vm15, v3, v10;
	v40 =	vsel vm4, v6, v4;
	v4 =	vsel vm5, v4, v6  }
0x34: {  	v6 =	vand.u32 $0xFFFFFFC0, v48;
	v39 =	vor.u32 $0x2E, v8;
	vm6 =	vgt.s32 v3, v40  }
0x35: {  	vm7 =	vlt.s32 v41, v4;
	vm8 =	vgt.s32 v4, v41;
	v5 =	vand.u32 $0xFFFFFFC0, v5  }
0x36: {  	v55 =	vor.u32 $0x37, v6;
	v6 =	vand.u32 $0xFFFFFFC0, v56;
	v56 =	vld.idx.msk [tilespmem:v49+s2+$0x0], $0xffff;
	v49 =	vor.u32 $0x24, v2  }
0x37: {  	v3 =	vsel vm6, v3, v40;
	v43 =	vsel vm7, v41, v4;
	v4 =	vsel vm8, v4, v41  }
0x38: {  	v5 =	vor.u32 $0x39, v5;
	v63 =	vor.u32 $0x35, v6;
	v6 =	vand.u32 $0xFFFFFFC0, v12;
	v40 =	vld.idx.msk [tilespmem:v33+s2+$0x0], $0xffff  }
0x39: {  	v41 =	vor.u32 $0x15, v2;
	v12 =	vld.idx.msk [tilespmem:v57+s2+$0x0], $0xffff;
	v33 =	vor.u32 $0x20, v2;
	v57 =	vor.u32 $0x26, v2  }
0x3a: {  	vm9 =	vgt.s32 v3, v43;
	vm10 =	vlt.s32 v44, v4;
	vm11 =	vgt.s32 v4, v44  }
0x3b: {  	v19 =	vor.u32 $0x33, v6;
	v6 =	vand.u32 $0xFFFFFFC0, v20;
	v20 =	vld.idx.msk [tilespmem:v13+s2+$0x0], $0xffff;
	v13 =	vor.u32 $0x28, v2  }
0x3c: {  	v3 =	vsel vm9, v3, v43;
	v47 =	vsel vm10, v44, v4;
	v4 =	vsel vm11, v4, v44  }
0x3d: {  	v27 =	vor.u32 $0x31, v6;
	v6 =	vand.u32 $0xFFFFFFC0, v28;
	v44 =	vld.idx.msk [tilespmem:v37+s2+$0x0], $0xffff;
	v37 =	vor.u32 $0x21, v2  }
0x3e: {  	v28 =	vld.idx.msk [tilespmem:v21+s2+$0x0], $0xffff;
	v21 =	vor.u32 $0x2A, v2;
	vm12 =	vgt.s32 v3, v47;
	vm13 =	vlt.s32 v5, v4  }
0x3f: {  	vm14 =	vgt.s32 v4, v5;
	v35 =	vor.u32 $0x2F, v6;
	v6 =	vand.u32 $0xFFFFFFC0, v36  }
0x40: {  	v36 =	vld.idx.msk [tilespmem:v29+s2+$0x0], $0xffff;
	v29 =	vor.u32 $0x2C, v2;
	v3 =	vsel vm12, v3, v47;
	v50 =	vsel vm13, v5, v4  }
0x41: {  	v4 =	vsel vm14, v4, v5;
	v43 =	vor.u32 $0x2D, v6;
	vm15 =	vgt.s32 v3, v50  }
0x42: {  	vm4 =	vlt.s32 v51, v4;
	vm5 =	vgt.s32 v4, v51;
	v8 =	vand.u32 $0xFFFFFFC0, v40;
	v48 =	vld.idx.msk [tilespmem:v41+s2+$0x0], $0xffff  }
0x43: {  	v40 =	vld.idx.msk [tilespmem:v33+s2+$0x0], $0xffff;
	v41 =	vor.u32 $0x22, v2;
	v33 =	vor.u32 $0x2D, v2;
	v3 =	vsel vm15, v3, v50  }
0x44: {  	v54 =	vsel vm4, v51, v4;
	v4 =	vsel vm5, v4, v51;
	v47 =	vor.u32 $0x2C, v8  }
0x45: {  	vm6 =	vgt.s32 v3, v54;
	vm7 =	vlt.s32 v55, v4;
	vm8 =	vgt.s32 v4, v55  }
0x46: {  	v6 =	vand.u32 $0xFFFFFFC0, v44;
	v44 =	vld.idx.msk [tilespmem:v37+s2+$0x0], $0xffff;
	v37 =	vor.u32 $0x2E, v2;
	v3 =	vsel vm6, v3, v54  }
0x47: {  	v58 =	vsel vm7, v55, v4;
	v4 =	vsel vm8, v4, v55;
	v51 =	vor.u32 $0x2B, v6  }
0x48: {  	v6 =	vand.u32 $0xFFFFFFC0, v52;
	v52 =	vld.idx.msk [tilespmem:v45+s2+$0x0], $0xffff;
	v45 =	vor.u32 $0x30, v2;
	vm9 =	vgt.s32 v3, v58  }
0x49: {  	vm10 =	vlt.s32 v59, v4;
	vm11 =	vgt.s32 v4, v59;
	v3 =	vsel vm9, v3, v58  }
0x4a: {  	v62 =	vsel vm10, v59, v4;
	v4 =	vsel vm11, v4, v59;
	v8 =	vand.u32 $0xFFFFFFC0, v48  }
0x4b: {  	v59 =	vor.u32 $0x29, v6;
	v6 =	vand.u32 $0xFFFFFFC0, v60;
	v48 =	vld.idx.msk [tilespmem:v41+s2+$0x0], $0xffff;
	v41 =	vor.u32 $0x2F, v2  }
0x4c: {  	v60 =	vld.idx.msk [tilespmem:v53+s2+$0x0], $0xffff;
	v53 =	vor.u32 $0x32, v2;
	vm12 =	vgt.s32 v3, v62;
	vm13 =	vlt.s32 v63, v4  }
0x4d: {  	vm14 =	vgt.s32 v4, v63;
	v55 =	vor.u32 $0x2A, v8;
	v8 =	vand.u32 $0xFFFFFFC0, v56  }
0x4e: {  	v56 =	vld.idx.msk [tilespmem:v49+s2+$0x0], $0xffff;
	v49 =	vor.u32 $0x31, v2;
	v3 =	vsel vm12, v3, v62;
	v14 =	vsel vm13, v63, v4  }
0x4f: {  	v4 =	vsel vm14, v4, v63;
	v63 =	vor.u32 $0x28, v8;
	v8 =	vand.u32 $0xFFFFFFC0, v12  }
0x50: {  	v12 =	vld.idx.msk [tilespmem:v57+s2+$0x0], $0xffff;
	v57 =	vor.u32 $0x33, v2;
	vm15 =	vgt.s32 v3, v14;
	vm4 =	vlt.s32 v15, v4  }
0x51: {  	vm5 =	vgt.s32 v4, v15;
	v3 =	vsel vm15, v3, v14;
	v18 =	vsel vm4, v15, v4  }
0x52: {  	v4 =	vsel vm5, v4, v15;
	v15 =	vor.u32 $0x27, v6;
	v6 =	vand.u32 $0xFFFFFFC0, v16  }
0x53: {  	v16 =	vld.idx.msk [tilespmem:v61+s2+$0x0], $0xffff;
	v61 =	vor.u32 $0x34, v2;
	vm6 =	vgt.s32 v3, v18;
	vm7 =	vlt.s32 v19, v4  }
0x54: {  	vm8 =	vgt.s32 v4, v19;
	v3 =	vsel vm6, v3, v18;
	v22 =	vsel vm7, v19, v4  }
0x55: {  	v4 =	vsel vm8, v4, v19;
	v19 =	vor.u32 $0x26, v8;
	v8 =	vand.u32 $0xFFFFFFC0, v20  }
0x56: {  	v20 =	vld.idx.msk [tilespmem:v13+s2+$0x0], $0xffff;
	v13 =	vor.u32 $0x35, v2;
	vm9 =	vgt.s32 v3, v22;
	vm10 =	vlt.s32 v23, v4  }
0x57: {  	vm11 =	vgt.s32 v4, v23;
	v3 =	vsel vm9, v3, v22;
	v26 =	vsel vm10, v23, v4  }
0x58: {  	v4 =	vsel vm11, v4, v23;
	v23 =	vor.u32 $0x25, v6;
	v6 =	vand.u32 $0xFFFFFFC0, v24  }
0x59: {  	v24 =	vld.idx.msk [tilespmem:v17+s2+$0x0], $0xffff;
	v17 =	vor.u32 $0x36, v2;
	vm12 =	vgt.s32 v3, v26;
	vm13 =	vlt.s32 v27, v4  }
0x5a: {  	vm14 =	vgt.s32 v4, v27;
	v3 =	vsel vm12, v3, v26;
	v30 =	vsel vm13, v27, v4  }
0x5b: {  	v4 =	vsel vm14, v4, v27;
	v27 =	vor.u32 $0x24, v8;
	v8 =	vand.u32 $0xFFFFFFC0, v28  }
0x5c: {  	v28 =	vld.idx.msk [tilespmem:v21+s2+$0x0], $0xffff;
	v21 =	vor.u32 $0x37, v2;
	vm15 =	vgt.s32 v3, v30;
	vm4 =	vlt.s32 v31, v4  }
0x5d: {  	vm5 =	vgt.s32 v4, v31;
	v3 =	vsel vm15, v3, v30;
	v34 =	vsel vm4, v31, v4  }
0x5e: {  	v4 =	vsel vm5, v4, v31;
	v31 =	vor.u32 $0x23, v6;
	v6 =	vand.u32 $0xFFFFFFC0, v32  }
0x5f: {  	v32 =	vld.idx.msk [tilespmem:v25+s2+$0x0], $0xffff;
	v25 =	vor.u32 $0x38, v2;
	vm6 =	vgt.s32 v3, v34;
	vm7 =	vlt.s32 v35, v4  }
0x60: {  	vm8 =	vgt.s32 v4, v35;
	v3 =	vsel vm6, v3, v34;
	v38 =	vsel vm7, v35, v4  }
0x61: {  	v4 =	vsel vm8, v4, v35;
	v35 =	vor.u32 $0x22, v8;
	v8 =	vand.u32 $0xFFFFFFC0, v36  }
0x62: {  	v36 =	vld.idx.msk [tilespmem:v29+s2+$0x0], $0xffff;
	v29 =	vor.u32 $0x39, v2;
	vm9 =	vgt.s32 v3, v38;
	vm10 =	vlt.s32 v39, v4  }
0x63: {  	vm11 =	vgt.s32 v4, v39;
	v3 =	vsel vm9, v3, v38;
	v42 =	vsel vm10, v39, v4  }
0x64: {  	v4 =	vsel vm11, v4, v39;
	v39 =	vor.u32 $0x21, v6;
	v6 =	vand.u32 $0xFFFFFFC0, v40  }
0x65: {  	v40 =	vld.idx.msk [tilespmem:v33+s2+$0x0], $0xffff;
	v33 =	vor.u32 $0x3A, v2;
	vm12 =	vgt.s32 v3, v42;
	vm13 =	vlt.s32 v43, v4  }
0x66: {  	vm14 =	vgt.s32 v4, v43;
	v3 =	vsel vm12, v3, v42;
	v46 =	vsel vm13, v43, v4  }
0x67: {  	v4 =	vsel vm14, v4, v43;
	v43 =	vor.u32 $0x20, v8;
	v8 =	vand.u32 $0xFFFFFFC0, v44  }
0x68: {  	v44 =	vld.idx.msk [tilespmem:v37+s2+$0x0], $0xffff;
	v37 =	vor.u32 $0x3B, v2;
	vm15 =	vgt.s32 v3, v46;
	vm4 =	vlt.s32 v47, v4  }
0x69: {  	vm5 =	vgt.s32 v4, v47;
	v3 =	vsel vm15, v3, v46;
	v50 =	vsel vm4, v47, v4  }
0x6a: {  	v4 =	vsel vm5, v4, v47;
	v47 =	vor.u32 $0x1F, v6;
	v6 =	vand.u32 $0xFFFFFFC0, v48  }
0x6b: {  	v48 =	vld.idx.msk [tilespmem:v41+s2+$0x0], $0xffff;
	v41 =	vor.u32 $0x3C, v2;
	vm6 =	vgt.s32 v3, v50;
	vm7 =	vlt.s32 v51, v4  }
0x6c: {  	vm8 =	vgt.s32 v4, v51;
	v3 =	vsel vm6, v3, v50;
	v54 =	vsel vm7, v51, v4  }
0x6d: {  	v4 =	vsel vm8, v4, v51;
	v51 =	vor.u32 $0x1E, v8;
	v8 =	vand.u32 $0xFFFFFFC0, v52  }
0x6e: {  	v52 =	vld.idx.msk [tilespmem:v45+s2+$0x0], $0xffff;
	v45 =	vor.u32 $0x3D, v2;
	vm9 =	vgt.s32 v3, v54;
	vm10 =	vlt.s32 v55, v4  }
0x6f: {  	vm11 =	vgt.s32 v4, v55;
	v3 =	vsel vm9, v3, v54;
	v58 =	vsel vm10, v55, v4  }
0x70: {  	v4 =	vsel vm11, v4, v55;
	v55 =	vor.u32 $0x1D, v6;
	v6 =	vand.u32 $0xFFFFFFC0, v56  }
0x71: {  	v56 =	vld.idx.msk [tilespmem:v49+s2+$0x0], $0xffff;
	v49 =	vor.u32 $0x3E, v2;
	v2 =	vor.u32 $0x3F, v2;
	vm12 =	vgt.s32 v3, v58  }
0x72: {  	vm13 =	vlt.s32 v59, v4;
	vm14 =	vgt.s32 v4, v59;
	v3 =	vsel vm12, v3, v58  }
0x73: {  	v62 =	vsel vm13, v59, v4;
	v4 =	vsel vm14, v4, v59;
	v59 =	vor.u32 $0x1C, v8  }
0x74: {  	v8 =	vand.u32 $0xFFFFFFC0, v60;
	vm15 =	vgt.s32 v3, v62;
	vm4 =	vlt.s32 v63, v4  }
0x75: {  	vm5 =	vgt.s32 v4, v63;
	v3 =	vsel vm15, v3, v62;
	v14 =	vsel vm4, v63, v4  }
0x76: {  	v4 =	vsel vm5, v4, v63;
	v63 =	vor.u32 $0x1B, v6;
	v6 =	vand.u32 $0xFFFFFFC0, v12  }
0x77: {  	vm6 =	vgt.s32 v3, v14;
	vm7 =	vlt.s32 v15, v4;
	vm8 =	vgt.s32 v4, v15  }
0x78: {  	v3 =	vsel vm6, v3, v14;
	v18 =	vsel vm7, v15, v4;
	v4 =	vsel vm8, v4, v15  }
0x79: {  	v15 =	vor.u32 $0x1A, v8;
	v8 =	vand.u32 $0xFFFFFFC0, v16;
	vm9 =	vgt.s32 v3, v18  }
0x7a: {  	v2 =	vld.idx.msk [tilespmem:v2+s2+$0x0], $0xffff;
	vm10 =	vlt.s32 v19, v4;
	vm11 =	vgt.s32 v4, v19;
	v3 =	vsel vm9, v3, v18  }
0x7b: {  	v22 =	vsel vm10, v19, v4;
	v4 =	vsel vm11, v4, v19;
	v19 =	vor.u32 $0x19, v6  }
0x7c: {  	v6 =	vand.u32 $0xFFFFFFC0, v20;
	vm12 =	vgt.s32 v3, v22;
	vm13 =	vlt.s32 v23, v4  }
0x7d: {  	vm14 =	vgt.s32 v4, v23;
	v3 =	vsel vm12, v3, v22;
	v26 =	vsel vm13, v23, v4  }
0x7e: {  	v4 =	vsel vm14, v4, v23;
	v23 =	vor.u32 $0x18, v8;
	v8 =	vand.u32 $0xFFFFFFC0, v24  }
0x7f: {  	v2 =	vand.u32 $0xFFFFFFC0, v2;
	vm15 =	vgt.s32 v3, v26;
	vm4 =	vlt.s32 v27, v4  }
0x80: {  	vm5 =	vgt.s32 v4, v27;
	v3 =	vsel vm15, v3, v26;
	v30 =	vsel vm4, v27, v4  }
0x81: {  	v4 =	vsel vm5, v4, v27;
	v27 =	vor.u32 $0x17, v6;
	v6 =	vand.u32 $0xFFFFFFC0, v28  }
0x82: {  	vm6 =	vgt.s32 v3, v30;
	vm7 =	vlt.s32 v31, v4;
	vm8 =	vgt.s32 v4, v31  }
0x83: {  	v3 =	vsel vm6, v3, v30;
	v34 =	vsel vm7, v31, v4;
	v4 =	vsel vm8, v4, v31  }
0x84: {  	v31 =	vor.u32 $0x16, v8;
	v8 =	vand.u32 $0xFFFFFFC0, v32;
	vm9 =	vgt.s32 v3, v34  }
0x85: {  	vm10 =	vlt.s32 v35, v4;
	vm11 =	vgt.s32 v4, v35;
	v3 =	vsel vm9, v3, v34  }
0x86: {  	v38 =	vsel vm10, v35, v4;
	v4 =	vsel vm11, v4, v35;
	v35 =	vor.u32 $0x15, v6  }
0x87: {  	v6 =	vand.u32 $0xFFFFFFC0, v36;
	vm12 =	vgt.s32 v3, v38;
	vm13 =	vlt.s32 v39, v4  }
0x88: {  	vm14 =	vgt.s32 v4, v39;
	v3 =	vsel vm12, v3, v38;
	v42 =	vsel vm13, v39, v4  }
0x89: {  	v4 =	vsel vm14, v4, v39;
	v39 =	vor.u32 $0x14, v8;
	v8 =	vand.u32 $0xFFFFFFC0, v40  }
0x8a: {  	vm15 =	vgt.s32 v3, v42;
	vm4 =	vlt.s32 v43, v4;
	vm5 =	vgt.s32 v4, v43  }
0x8b: {  	v3 =	vsel vm15, v3, v42;
	v46 =	vsel vm4, v43, v4;
	v4 =	vsel vm5, v4, v43  }
0x8c: {  	v43 =	vor.u32 $0x13, v6;
	v6 =	vand.u32 $0xFFFFFFC0, v44;
	vm6 =	vgt.s32 v3, v46  }
0x8d: {  	vm7 =	vlt.s32 v47, v4;
	vm8 =	vgt.s32 v4, v47;
	v3 =	vsel vm6, v3, v46  }
0x8e: {  	v50 =	vsel vm7, v47, v4;
	v4 =	vsel vm8, v4, v47;
	v47 =	vor.u32 $0x12, v8  }
0x8f: {  	v8 =	vand.u32 $0xFFFFFFC0, v48;
	vm9 =	vgt.s32 v3, v50;
	vm10 =	vlt.s32 v51, v4  }
0x90: {  	vm11 =	vgt.s32 v4, v51;
	v3 =	vsel vm9, v3, v50;
	v54 =	vsel vm10, v51, v4  }
0x91: {  	v4 =	vsel vm11, v4, v51;
	v51 =	vor.u32 $0x11, v6;
	v6 =	vand.u32 $0xFFFFFFC0, v52  }
0x92: {  	v60 =	vld.idx.msk [tilespmem:v53+s2+$0x0], $0xffff;
	vm12 =	vgt.s32 v3, v54;
	vm13 =	vlt.s32 v55, v4;
	vm14 =	vgt.s32 v4, v55  }
0x93: {  	v3 =	vsel vm12, v3, v54;
	v58 =	vsel vm13, v55, v4;
	v4 =	vsel vm14, v4, v55  }
0x94: {  	v12 =	vld.idx.msk [tilespmem:v57+s2+$0x0], $0xffff;
	v55 =	vor.u32 $0x10, v8;
	v8 =	vand.u32 $0xFFFFFFC0, v56;
	vm15 =	vgt.s32 v3, v58  }
0x95: {  	vm4 =	vlt.s32 v59, v4;
	vm5 =	vgt.s32 v4, v59;
	v3 =	vsel vm15, v3, v58  }
0x96: {  	v62 =	vsel vm4, v59, v4;
	v4 =	vsel vm5, v4, v59;
	v59 =	vor.u32 $0xF, v6  }
0x97: {  	v16 =	vld.idx.msk [tilespmem:v61+s2+$0x0], $0xffff;
	v6 =	vand.u32 $0xFFFFFFC0, v60;
	vm6 =	vgt.s32 v3, v62;
	vm7 =	vlt.s32 v63, v4  }
0x98: {  	vm8 =	vgt.s32 v4, v63;
	v3 =	vsel vm6, v3, v62;
	v14 =	vsel vm7, v63, v4  }
0x99: {  	v4 =	vsel vm8, v4, v63;
	v63 =	vor.u32 $0xE, v8;
	v8 =	vand.u32 $0xFFFFFFC0, v12  }
0x9a: {  	v20 =	vld.idx.msk [tilespmem:v13+s2+$0x0], $0xffff;
	vm9 =	vgt.s32 v3, v14;
	vm10 =	vlt.s32 v15, v4;
	vm11 =	vgt.s32 v4, v15  }
0x9b: {  	v3 =	vsel vm9, v3, v14;
	v18 =	vsel vm10, v15, v4;
	v4 =	vsel vm11, v4, v15  }
0x9c: {  	v24 =	vld.idx.msk [tilespmem:v17+s2+$0x0], $0xffff;
	v15 =	vor.u32 $0xD, v6;
	v6 =	vand.u32 $0xFFFFFFC0, v16;
	vm12 =	vgt.s32 v3, v18  }
0x9d: {  	vm13 =	vlt.s32 v19, v4;
	vm14 =	vgt.s32 v4, v19;
	v3 =	vsel vm12, v3, v18  }
0x9e: {  	v22 =	vsel vm13, v19, v4;
	v4 =	vsel vm14, v4, v19;
	v19 =	vor.u32 $0xC, v8  }
0x9f: {  	v28 =	vld.idx.msk [tilespmem:v21+s2+$0x0], $0xffff;
	v8 =	vand.u32 $0xFFFFFFC0, v20;
	vm15 =	vgt.s32 v3, v22;
	vm4 =	vlt.s32 v23, v4  }
0xa0: {  	vm5 =	vgt.s32 v4, v23;
	v3 =	vsel vm15, v3, v22;
	v26 =	vsel vm4, v23, v4  }
0xa1: {  	v4 =	vsel vm5, v4, v23;
	v23 =	vor.u32 $0xB, v6;
	v6 =	vand.u32 $0xFFFFFFC0, v24  }
0xa2: {  	v32 =	vld.idx.msk [tilespmem:v25+s2+$0x0], $0xffff;
	vm6 =	vgt.s32 v3, v26;
	vm7 =	vlt.s32 v27, v4;
	vm8 =	vgt.s32 v4, v27  }
0xa3: {  	v3 =	vsel vm6, v3, v26;
	v30 =	vsel vm7, v27, v4;
	v4 =	vsel vm8, v4, v27  }
0xa4: {  	v36 =	vld.idx.msk [tilespmem:v29+s2+$0x0], $0xffff;
	v27 =	vor.u32 $0xA, v8;
	v8 =	vand.u32 $0xFFFFFFC0, v28;
	vm9 =	vgt.s32 v3, v30  }
0xa5: {  	vm10 =	vlt.s32 v31, v4;
	vm11 =	vgt.s32 v4, v31;
	v3 =	vsel vm9, v3, v30  }
0xa6: {  	v34 =	vsel vm10, v31, v4;
	v4 =	vsel vm11, v4, v31;
	v31 =	vor.u32 $0x9, v6  }
0xa7: {  	v40 =	vld.idx.msk [tilespmem:v33+s2+$0x0], $0xffff;
	v6 =	vand.u32 $0xFFFFFFC0, v32;
	vm12 =	vgt.s32 v3, v34;
	vm13 =	vlt.s32 v35, v4  }
0xa8: {  	vm14 =	vgt.s32 v4, v35;
	v3 =	vsel vm12, v3, v34;
	v38 =	vsel vm13, v35, v4  }
0xa9: {  	v4 =	vsel vm14, v4, v35;
	v35 =	vor.u32 $0x8, v8;
	v8 =	vand.u32 $0xFFFFFFC0, v36  }
0xaa: {  	v44 =	vld.idx.msk [tilespmem:v37+s2+$0x0], $0xffff;
	vm15 =	vgt.s32 v3, v38;
	vm4 =	vlt.s32 v39, v4;
	vm5 =	vgt.s32 v4, v39  }
0xab: {  	v3 =	vsel vm15, v3, v38;
	v42 =	vsel vm4, v39, v4;
	v4 =	vsel vm5, v4, v39  }
0xac: {  	v48 =	vld.idx.msk [tilespmem:v41+s2+$0x0], $0xffff;
	v39 =	vor.u32 $0x7, v6;
	v6 =	vand.u32 $0xFFFFFFC0, v40;
	vm6 =	vgt.s32 v3, v42  }
0xad: {  	vm7 =	vlt.s32 v43, v4;
	vm8 =	vgt.s32 v4, v43;
	v3 =	vsel vm6, v3, v42  }
0xae: {  	v46 =	vsel vm7, v43, v4;
	v4 =	vsel vm8, v4, v43;
	v43 =	vor.u32 $0x6, v8  }
0xaf: {  	v52 =	vld.idx.msk [tilespmem:v45+s2+$0x0], $0xffff;
	v8 =	vand.u32 $0xFFFFFFC0, v44;
	vm9 =	vgt.s32 v3, v46;
	vm10 =	vlt.s32 v47, v4  }
0xb0: {  	vm11 =	vgt.s32 v4, v47;
	v3 =	vsel vm9, v3, v46;
	v50 =	vsel vm10, v47, v4  }
0xb1: {  	v4 =	vsel vm11, v4, v47;
	v47 =	vor.u32 $0x5, v6;
	v6 =	vand.u32 $0xFFFFFFC0, v48  }
0xb2: {  	vm12 =	vgt.s32 v3, v50;
	vm13 =	vlt.s32 v51, v4;
	vm14 =	vgt.s32 v4, v51  }
0xb3: {  	v3 =	vsel vm12, v3, v50;
	v54 =	vsel vm13, v51, v4;
	v4 =	vsel vm14, v4, v51  }
0xb4: {  	v51 =	vor.u32 $0x4, v8;
	v8 =	vand.u32 $0xFFFFFFC0, v52;
	vm15 =	vgt.s32 v3, v54  }
0xb5: {  	vm4 =	vlt.s32 v55, v4;
	vm5 =	vgt.s32 v4, v55;
	v57 =	vor.u32 $0x2, v8  }
0xb6: {  	v3 =	vsel vm15, v3, v54;
	v58 =	vsel vm4, v55, v4;
	v4 =	vsel vm5, v4, v55  }
0xb7: {  	v55 =	vld.idx.msk [tilespmem:v49+s2+$0x0], $0xffff;
	vm6 =	vgt.s32 v3, v58;
	vm7 =	vlt.s32 v59, v4;
	vm8 =	vgt.s32 v4, v59  }
0xb8: {  	v3 =	vsel vm6, v3, v58;
	v62 =	vsel vm7, v59, v4;
	v4 =	vsel vm8, v4, v59  }
0xb9: {  	vm9 =	vgt.s32 v3, v62;
	vm10 =	vlt.s32 v63, v4;
	vm11 =	vgt.s32 v4, v63  }
0xba: {  	v3 =	vsel vm9, v3, v62;
	v14 =	vsel vm10, v63, v4;
	v4 =	vsel vm11, v4, v63  }
0xbb: {  	v54 =	vor.u32 $0x3, v6;
	vm12 =	vgt.s32 v3, v14;
	vm13 =	vlt.s32 v15, v4  }
0xbc: {  	vm14 =	vgt.s32 v4, v15;
	v6 =	vand.u32 $0xFFFFFFC0, v55;
	v3 =	vsel vm12, v3, v14  }
0xbd: {  	v18 =	vsel vm13, v15, v4;
	v4 =	vsel vm14, v4, v15;
	v59 =	vor.u32 $0x1, v6  }
0xbe: {  	vm15 =	vgt.s32 v3, v18;
	vm4 =	vlt.s32 v19, v4;
	vm5 =	vgt.s32 v4, v19  }
0xbf: {  	v3 =	vsel vm15, v3, v18;
	v22 =	vsel vm4, v19, v4;
	v4 =	vsel vm5, v4, v19  }
0xc0: {  	vm6 =	vgt.s32 v3, v22;
	vm7 =	vlt.s32 v23, v4;
	vm8 =	vgt.s32 v4, v23  }
0xc1: {  	v3 =	vsel vm6, v3, v22;
	v26 =	vsel vm7, v23, v4;
	v4 =	vsel vm8, v4, v23  }
0xc2: {  	vm9 =	vgt.s32 v3, v26;
	vm10 =	vlt.s32 v27, v4;
	vm11 =	vgt.s32 v4, v27  }
0xc3: {  	v3 =	vsel vm9, v3, v26;
	v30 =	vsel vm10, v27, v4;
	v4 =	vsel vm11, v4, v27  }
0xc4: {  	vm12 =	vgt.s32 v3, v30;
	vm13 =	vlt.s32 v31, v4;
	vm14 =	vgt.s32 v4, v31  }
0xc5: {  	v3 =	vsel vm12, v3, v30;
	v34 =	vsel vm13, v31, v4;
	v4 =	vsel vm14, v4, v31  }
0xc6: {  	vm15 =	vgt.s32 v3, v34;
	vm4 =	vlt.s32 v35, v4;
	vm5 =	vgt.s32 v4, v35  }
0xc7: {  	v3 =	vsel vm15, v3, v34;
	v38 =	vsel vm4, v35, v4;
	v4 =	vsel vm5, v4, v35  }
0xc8: {  	vm6 =	vgt.s32 v3, v38;
	vm7 =	vlt.s32 v39, v4;
	vm8 =	vgt.s32 v4, v39  }
0xc9: {  	v3 =	vsel vm6, v3, v38;
	v42 =	vsel vm7, v39, v4;
	v4 =	vsel vm8, v4, v39  }
0xca: {  	vm9 =	vgt.s32 v3, v42;
	vm10 =	vlt.s32 v43, v4;
	vm11 =	vgt.s32 v4, v43  }
0xcb: {  	v3 =	vsel vm9, v3, v42;
	v46 =	vsel vm10, v43, v4;
	v4 =	vsel vm11, v4, v43  }
0xcc: {  	vm12 =	vgt.s32 v3, v46;
	vm13 =	vlt.s32 v47, v4;
	vm14 =	vgt.s32 v4, v47  }
0xcd: {  	v3 =	vsel vm12, v3, v46;
	v50 =	vsel vm13, v47, v4;
	v4 =	vsel vm14, v4, v47  }
0xce: {  	vm15 =	vgt.s32 v3, v50;
	vm4 =	vlt.s32 v51, v4;
	vm5 =	vgt.s32 v4, v51  }
0xcf: {  	v3 =	vsel vm15, v3, v50;
	v53 =	vsel vm4, v51, v4;
	v4 =	vsel vm5, v4, v51  }
0xd0: {  	vm6 =	vgt.s32 v3, v53;
	vm7 =	vlt.s32 v54, v4;
	vm8 =	vgt.s32 v4, v54  }
0xd1: {  	v3 =	vsel vm6, v3, v53;
	v56 =	vsel vm7, v54, v4;
	v4 =	vsel vm8, v4, v54  }
0xd2: {  	vm9 =	vgt.s32 v3, v56;
	vm10 =	vlt.s32 v57, v4;
	vm11 =	vgt.s32 v4, v57  }
0xd3: {  	v3 =	vsel vm9, v3, v56;
	v58 =	vsel vm10, v57, v4;
	v4 =	vsel vm11, v4, v57  }
0xd4: {  	vm12 =	vgt.s32 v3, v58;
	vm13 =	vlt.s32 v59, v4;
	vm14 =	vgt.s32 v4, v59  }
0xd5: {  	v3 =	vsel vm12, v3, v58;
	v6 =	vsel vm13, v59, v4;
	v4 =	vsel vm14, v4, v59  }
0xd6: {  	vm0 =	vgt.s32 v3, v6;
	vm1 =	vlt.s32 v2, v4  }
0xd7: {  	v3 =	vsel vm0, v3, v6;
	v5 =	vsel vm1, v2, v4  }
0xd8: {  	vm0 =	vgt.s32 v3, v5  }
0xd9: {  	v3 =	vsel vm0, v3, v5  }
0xda: {  	vm15 =	vgt.s32 v4, v2;
	vm0 =	vgt.s32 v3, $0x0  }
0xdb: {  	v2 =	vsel vm15, v4, v2;
	v3 =	vnsel vm0, $0x0, v3  }
0xdc: {  	v4 =	vand.u32 $0xFFFFFFC0, v2;
	v60 =	vand.u32 $0x7FFFFFC0, v3  }
0xdd: {  	v61 =	vadd.f32 v60, v4;
	_ =	sdelay $0x1  }
0xde: {  	(erf) = vrcp.f32 v61;
	_ =	sdelay $0x6  }
0xdf: {  	v1 =	vshll.u32 v1, $0x1  }
0xe0: {  	v62 =	vor.u32 $0x1, v1  }
0xe1: {  	v63 =	vpop (erf)  }
0xe2: {  	p0 =	sne.s32 s11, $0x3F0;
	v4 =	vmul.f32 v4, v63  }
.Ltmp0:
0xe3: {  	v5 =	vmul.f32 v60, v63;
	(pc) =	sbr.rel @p0 .LBB2_2-.Ltmp0, $4  }
0xe4: {  	[tilespmem:v1+s8+$0x0] =	vst.idx.msk $0xffff, v4  }
0xe5: {  	v2 =	vandn.u32 $0x3F, v2;
	[tilespmem:v62+s8+$0x0] =	vst.idx.msk $0xffff, v5  }
0xe6: {  	v3 =	vandn.u32 $0x3F, v3;
	[tilespmem:v1+s9+$0x0] =	vst.idx.msk $0xffff, v2  }
0xe7: {  	s11 =	sadd.s32 $0x10, s11;
	[tilespmem:v62+s9+$0x0] =	vst.idx.msk $0xffff, v3  }
0xe8: {  	[hbm4b:s4+s2] =	stream.linear.scatter [tilespmem:s8], [sflag:$0x1], $0x800, $0x38;
	[tilespmem:$0x11000] =	vst v63  }
0xe9: {  	s10 =	sadd.s32 $0x1, s10;
	_ =	swait.ge [sflag:s7], $0x800  }
0xea: {  	p0 =	sne.s32 s10, s6;
	[sflag:s7] =	ssyncset.done $0x0  }
.Ltmp1:
0xeb: {  	[sflag:s7] =	ssyncadd.s32 $0xFFFFF800;
	(pc) =	sbr.rel @p0 .LBB2_1-.Ltmp1, $4  }
0xec: {  	[hbm4b:s5+s2] =	stream.linear.scatter [tilespmem:s9], [sflag:$0x1], $0x800, $0x38;
	[tilespmem:$0x11000] =	vst v63  }
0xed: {  	_ =	swait.ge [sflag:s7], $0x800  }
0xee: {  	[sflag:s7] =	ssyncset.done $0x0  }
0xef: {  	[sflag:s7] =	ssyncadd.s32 $0xFFFFF800  }
0xf0: {  	_ =	sfence.sel $0x180000  }
0xf1: {  	[bflag:$0x0] =	sbarrier.arrive $0xFFFF  }
0xf2: {  	p0 =	sne.s32 s1, $0x0;
	_ =	strace $0x90000047  }
0xf3: {  	s0 =	sadd.s32 @!p0 $0x100000, s0;
	[bflag:$0x2] =	sbarrier.arrive $0xFFFF  }
0xf4: {  	[sflag:s0] =	ssyncadd.tile.s32 @!p0 $0x1;
	_ =	shalt  }
.Lfunc_end2:
_tile_overlayer_lowered:
.L_overlay_start_2:
0xf5: {  	(tag) =	ssettag $0x2  }
0xf6: {  	s0 =	rddreg [dreg:$0x0];
	s2 =	stileid.u32  }
0xf7: {  	s1 =	rddreg [dreg:$0x1];
	p0 =	sne.s32 s2, $0x0  }
0xf8: {  	s3 =	rddreg [dreg:$0x2];
	[bflag:$0x3] =	sbarrier.arrive $0xFFFF;
	s2 =	simm.s32 @!p0 $0x1C01  }
0xf9: {  	[timem:s3], [sflag:s2] =	dma.local @!p0 [hbm:s0], s1  }
0xfa: {  	s0 =	simm.s32 @!p0 $0x1  }
0xfb: {  	_ =	swait.ge @!p0 [sflag:s0], s1  }
0xfc: {  	s1 =	ssub.s32 @!p0 $0x0, s1;
	[sflag:s0] =	ssyncset.done @!p0 $0x0  }
0xfd: {  	[sflag:s0] =	ssyncadd.s32 @!p0 s1  }
0xfe: {  	[bflag:$0x3] =	sbarrier.arrive $0xFFFF  }
0xff: {  	_ =	shalt  }

</sc_bundles>
